<compile_context>
chip_gen: v7x
topology: tpu7x:2x2x1
jax: 0.10.2.dev20260603
libtpu: 0.0.44.dev20260713+nightly
codegen_flags: <defaults>
</compile_context>

<pallas_src>
import functools

import jax
import jax.numpy as jnp
from jax import lax
from jax.experimental import pallas as pl
from jax.experimental.pallas import tpu as pltpu
from jax.experimental.pallas import tpu_sc as plsc

DIM = 128
VOCAB = 100
CHUNK = 128
NBUF = 4


def _project_body(emb_ref, w_ref, b_ref, out_ref):
    out_ref[...] = lax.dot_general(
        emb_ref[...], w_ref[...],
        dimension_numbers=(((1,), (1,)), ((), ())),
        preferred_element_type=jnp.float32,
    ) + b_ref[...]


def _project_table(emb_table, W, b):
    return pl.pallas_call(
        _project_body,
        out_shape=jax.ShapeDtypeStruct((VOCAB, DIM), jnp.float32),
    )(emb_table, W, b.reshape(1, DIM))


def _make_sc_gather(n_rows):
    info = plsc.get_sparse_core_info()
    nc, ns = info.num_cores, info.num_subcores
    nw = nc * ns
    assert n_rows % (nw * CHUNK * NBUF) == 0
    per_w = n_rows // nw
    n_chunks = per_w // CHUNK
    n_iters = n_chunks // NBUF
    mesh = plsc.VectorSubcoreMesh(core_axis_name="c", subcore_axis_name="s")

    assert n_iters % 2 == 0
    scratch = (
        [pltpu.VMEM_SHARED((VOCAB, DIM), jnp.float32)]
        + [pltpu.VMEM((NBUF, CHUNK), jnp.int32) for _ in range(2)]
        + [pltpu.VMEM((CHUNK, DIM), jnp.float32) for _ in range(NBUF)]
        + [pltpu.SemaphoreType.DMA] * (2 * NBUF + 3)
    )

    @functools.partial(
        pl.kernel,
        mesh=mesh,
        out_type=jax.ShapeDtypeStruct((n_rows, DIM), jnp.float32),
        scratch_types=scratch,
    )
    def sc_gather(table_hbm, idx_hbm, out_hbm, *bufs):
        table_sh = bufs[0]
        idx_blk = bufs[1:3]
        rows_v = bufs[3:3 + NBUF]
        gat_sem = bufs[3 + NBUF:3 + 2 * NBUF]
        out_sem = bufs[3 + 2 * NBUF:3 + 3 * NBUF]
        blk_sem = bufs[3 + 3 * NBUF:5 + 3 * NBUF]
        tab_sem = bufs[5 + 3 * NBUF]
        sid = lax.axis_index("s")
        wid = sid * nc + lax.axis_index("c")
        base = wid * per_w
        cbase = wid * n_chunks

        def blk_copy(j, p):
            return pltpu.make_async_copy(
                idx_hbm.at[pl.ds(cbase + j * NBUF, NBUF)],
                idx_blk[p], blk_sem[p])

        def gat_copy(b, p):
            return pltpu.make_async_copy(
                table_sh.at[idx_blk[p].at[b]], rows_v[b], gat_sem[b])

        def out_copy(g, b):
            off = base + g * CHUNK
            return pltpu.make_async_copy(
                rows_v[b], out_hbm.at[pl.ds(off, CHUNK)], out_sem[b])

        blk_copy(0, 0).start()
        blk_copy(1, 1).start()

        @pl.when(sid == 0)
        def _():
            pltpu.make_async_copy(table_hbm, table_sh, tab_sem).start()
            pltpu.make_async_copy(table_hbm, table_sh, tab_sem).wait()

        plsc.subcore_barrier()

        def half(j, p):
            g0 = j * NBUF
            blk_copy(j, p).wait()
            for b in range(NBUF):
                @pl.when(j > 0)
                def _(b=b):
                    out_copy(g0 + b - NBUF, b).wait()

                gat_copy(b, p).start()
            for b in range(NBUF):
                gat_copy(b, p).wait()
                out_copy(g0 + b, b).start()

            @pl.when(j < n_iters - 2)
            def _():
                blk_copy(j + 2, p).start()

        def body(jj, carry):
            half(2 * jj, 0)
            half(2 * jj + 1, 1)
            return carry

        lax.fori_loop(0, n_iters // 2, body, 0)
        for b in range(NBUF):
            out_copy(n_chunks - NBUF + b, b).wait()

    return sc_gather


def kernel(x, emb_table, W, b):
    batch, hist = x.shape
    table_proj = _project_table(emb_table, W, b)
    idx2d = x.reshape(-1, CHUNK)
    gather = _make_sc_gather(batch * hist)
    out = gather(table_proj, idx2d)
    return out.reshape(batch, hist, DIM)

# --- scband reference (transcript-rebuilt; emitter-appended) ---
"""Pipeline reference for scband-simple-model-1632087572533 (READ-ONLY COPY).

The authoritative reference and input builder live on the scoring server;
editing this copy changes nothing except your own understanding.
"""

import jax, jax.numpy as jnp
import numpy as np

DIM = 128
VOCAB = 100
BATCH = 16384
HIST = 200


def setup_inputs(seed: int = 0) -> dict:
    key = jax.random.key(seed)
    k_idx, k_emb, k_w, k_b = jax.random.split(key, 4)
    x = jax.random.randint(k_idx, (BATCH, HIST), 0, VOCAB, dtype=jnp.int64 if jax.config.jax_enable_x64 else jnp.int32)
    # learned params: embedding table [100, dim], linear weight [dim, dim], bias [dim]
    emb_table = jax.random.normal(k_emb, (VOCAB, DIM), dtype=jnp.float32)
    # torch nn.Linear init scale ~ U(-1/sqrt(in), 1/sqrt(in)); use normal scaled for reference
    W = jax.random.normal(k_w, (DIM, DIM), dtype=jnp.float32) * (1.0 / np.sqrt(DIM))
    b = jax.random.normal(k_b, (DIM,), dtype=jnp.float32) * (1.0 / np.sqrt(DIM))
    return {"x": x, "emb_table": emb_table, "W": W, "b": b}


def reference(x, emb_table, W, b):
    # embedding lookup -> gather rows of table (SparseCore-friendly)
    emb = jnp.take(emb_table, x, axis=0)            # [B, L, dim]
    # torch Linear: y = emb @ W.T + b
    out = jnp.einsum("bld,od->blo", emb, W) + b      # [B, L, dim]
    return out

if __name__ == "__main__":
    import jax
    _d = setup_inputs()
    print(jax.jit(kernel)(*tuple(_d.values())))

</pallas_src>

<mosaic_0001>
#map = affine_map<(d0, d1) -> (0, 0)>
module attributes {stable_mosaic.version = 14 : i64} {
  func.func @sc_gather(%arg0: i32, %arg1: i32, %arg2: memref<100x128xf32, #tpu.memory_space<hbm>>, %arg3: memref<25600x128xi32, #tpu.memory_space<hbm>>, %arg4: memref<3276800x128xf32, #tpu.memory_space<hbm>>, %arg5: memref<100x128xf32, #tpu.memory_space<vmem_shared>>, %arg6: memref<4x128xi32, #tpu.memory_space<vmem>>, %arg7: memref<4x128xi32, #tpu.memory_space<vmem>>, %arg8: memref<128x128xf32, #tpu.memory_space<vmem>>, %arg9: memref<128x128xf32, #tpu.memory_space<vmem>>, %arg10: memref<128x128xf32, #tpu.memory_space<vmem>>, %arg11: memref<128x128xf32, #tpu.memory_space<vmem>>, %arg12: memref<!tpu.dma_semaphore, #tpu.memory_space<semaphore_mem>>, %arg13: memref<!tpu.dma_semaphore, #tpu.memory_space<semaphore_mem>>, %arg14: memref<!tpu.dma_semaphore, #tpu.memory_space<semaphore_mem>>, %arg15: memref<!tpu.dma_semaphore, #tpu.memory_space<semaphore_mem>>, %arg16: memref<!tpu.dma_semaphore, #tpu.memory_space<semaphore_mem>>, %arg17: memref<!tpu.dma_semaphore, #tpu.memory_space<semaphore_mem>>, %arg18: memref<!tpu.dma_semaphore, #tpu.memory_space<semaphore_mem>>, %arg19: memref<!tpu.dma_semaphore, #tpu.memory_space<semaphore_mem>>, %arg20: memref<!tpu.dma_semaphore, #tpu.memory_space<semaphore_mem>>, %arg21: memref<!tpu.dma_semaphore, #tpu.memory_space<semaphore_mem>>, %arg22: memref<!tpu.dma_semaphore, #tpu.memory_space<semaphore_mem>>) attributes {dimension_semantics = [#tpu.dimension_semantics<core_parallel>, #tpu.dimension_semantics<subcore_parallel>], iteration_bounds = array<i64: 2, 16>, scalar_prefetch = 0 : i64, scratch_operands = 18 : i64, tpu.core_type = #tpu.core_type<sc_vector_subcore>, window_params = [{transform_indices = #map}, {transform_indices = #map}, {transform_indices = #map}]} {
    %mul3A = arith.constant 2 : i32
    %mul3A_0 = arith.muli %arg1, %mul3A : i32
    %add3A = arith.addi %mul3A_0, %arg0 : i32
    %mul3A_1 = arith.constant 102400 : i32
    %mul3A_2 = arith.muli %add3A, %mul3A_1 : i32
    %mul3A_3 = arith.constant 800 : i32
    %mul3A_4 = arith.muli %add3A, %mul3A_3 : i32
    %add3A_5 = arith.constant 0 : i32
    %add3A_6 = arith.addi %mul3A_4, %add3A_5 : i32
    %dma_start3A = arith.constant 0 : i32
    %dma_start3A_7 = tpu.memref_slice %arg3[%add3A_6, %dma_start3A] : memref<25600x128xi32, #tpu.memory_space<hbm>> -> memref<4x128xi32, #tpu.memory_space<hbm>>
    %dma_start3A_8 = arith.constant 0 : i32
    %dma_start3A_9 = tpu.memref_slice %arg3[%add3A_6, %dma_start3A_8] : memref<25600x128xi32, #tpu.memory_space<hbm>> -> memref<4x128xi32, #tpu.memory_space<hbm>>
    tpu.enqueue_dma source(%dma_start3A_9 : memref<4x128xi32, #tpu.memory_space<hbm>>) target(%arg6 : memref<4x128xi32, #tpu.memory_space<vmem>>) target_semaphore(%arg20 : memref<!tpu.dma_semaphore, #tpu.memory_space<semaphore_mem>>)
    %add3A_10 = arith.constant 4 : i32
    %add3A_11 = arith.addi %mul3A_4, %add3A_10 : i32
    %dma_start3A_12 = arith.constant 0 : i32
    %dma_start3A_13 = tpu.memref_slice %arg3[%add3A_11, %dma_start3A_12] : memref<25600x128xi32, #tpu.memory_space<hbm>> -> memref<4x128xi32, #tpu.memory_space<hbm>>
    %dma_start3A_14 = arith.constant 0 : i32
    %dma_start3A_15 = tpu.memref_slice %arg3[%add3A_11, %dma_start3A_14] : memref<25600x128xi32, #tpu.memory_space<hbm>> -> memref<4x128xi32, #tpu.memory_space<hbm>>
    tpu.enqueue_dma source(%dma_start3A_15 : memref<4x128xi32, #tpu.memory_space<hbm>>) target(%arg7 : memref<4x128xi32, #tpu.memory_space<vmem>>) target_semaphore(%arg21 : memref<!tpu.dma_semaphore, #tpu.memory_space<semaphore_mem>>)
    %eq3A = arith.constant 0 : i32
    %eq3A_16 = arith.cmpi eq, %arg1, %eq3A : i32
    %convert_element_type3A = arith.extui %eq3A_16 : i1 to i32
    %cond3A = arith.constant 0 : i32
    %cond3A_17 = arith.cmpi ne, %convert_element_type3A, %cond3A : i32
    scf.if %cond3A_17 {
      tpu.enqueue_dma source(%arg2 : memref<100x128xf32, #tpu.memory_space<hbm>>) target(%arg5 : memref<100x128xf32, #tpu.memory_space<vmem_shared>>) target_semaphore(%arg22 : memref<!tpu.dma_semaphore, #tpu.memory_space<semaphore_mem>>)
      tpu.wait_dma2 semaphore(%arg22 : memref<!tpu.dma_semaphore, #tpu.memory_space<semaphore_mem>>) src(%arg2 : memref<100x128xf32, #tpu.memory_space<hbm>>) dst(%arg5 : memref<100x128xf32, #tpu.memory_space<vmem_shared>>)
    } else {
    }
    %barrier3A = arith.constant 0 : index
    tpu.barrier barrier_id(%barrier3A)
    %scan3A = arith.constant 0 : i32
    %scan3A_18 = arith.constant 0 : i32
    %scan3A_19 = arith.constant 100 : i32
    %scan3A_20 = arith.addi %scan3A_18, %scan3A_19 : i32
    %scan3A_21 = arith.constant 1 : i32
    scf.for %scan3A_46 = %scan3A_18 to %scan3A_20 step %scan3A_21  : i32 {
      %mul3A_47 = arith.constant 2 : i32
      %mul3A_48 = arith.muli %mul3A_47, %scan3A_46 : i32
      %mul3A_49 = arith.constant 4 : i32
      %mul3A_50 = arith.muli %mul3A_48, %mul3A_49 : i32
      %mul3A_51 = arith.constant 4 : i32
      %mul3A_52 = arith.muli %mul3A_48, %mul3A_51 : i32
      %add3A_53 = arith.addi %mul3A_4, %mul3A_52 : i32
      %dma_wait3A_54 = arith.constant 0 : i32
      %dma_wait3A_55 = tpu.memref_slice %arg3[%add3A_53, %dma_wait3A_54] : memref<25600x128xi32, #tpu.memory_space<hbm>> -> memref<4x128xi32, #tpu.memory_space<hbm>>
      %dma_wait3A_56 = arith.constant 0 : i32
      %dma_wait3A_57 = tpu.memref_slice %arg3[%add3A_53, %dma_wait3A_56] : memref<25600x128xi32, #tpu.memory_space<hbm>> -> memref<4x128xi32, #tpu.memory_space<hbm>>
      tpu.wait_dma2 semaphore(%arg20 : memref<!tpu.dma_semaphore, #tpu.memory_space<semaphore_mem>>) src(%dma_wait3A_57 : memref<4x128xi32, #tpu.memory_space<hbm>>) dst(%arg6 : memref<4x128xi32, #tpu.memory_space<vmem>>)
      %gt3A = arith.constant 0 : i32
      %gt3A_58 = arith.cmpi sgt, %mul3A_48, %gt3A : i32
      %convert_element_type3A_59 = arith.extui %gt3A_58 : i1 to i32
      %cond3A_60 = arith.constant 0 : i32
      %cond3A_61 = arith.cmpi ne, %convert_element_type3A_59, %cond3A_60 : i32
      scf.if %cond3A_61 {
        %add3A_303 = arith.constant 0 : i32
        %add3A_304 = arith.addi %mul3A_50, %add3A_303 : i32
        %sub3A = arith.constant 4 : i32
        %sub3A_305 = arith.subi %add3A_304, %sub3A : i32
        %mul3A_306 = arith.constant 128 : i32
        %mul3A_307 = arith.muli %sub3A_305, %mul3A_306 : i32
        %add3A_308 = arith.addi %mul3A_2, %mul3A_307 : i32
        %dma_wait3A_309 = arith.constant 0 : i32
        %dma_wait3A_310 = tpu.memref_slice %arg4[%add3A_308, %dma_wait3A_309] : memref<3276800x128xf32, #tpu.memory_space<hbm>> -> memref<128x128xf32, #tpu.memory_space<hbm>>
        %dma_wait3A_311 = arith.constant 0 : i32
        %dma_wait3A_312 = tpu.memref_slice %arg4[%add3A_308, %dma_wait3A_311] : memref<3276800x128xf32, #tpu.memory_space<hbm>> -> memref<128x128xf32, #tpu.memory_space<hbm>>
        tpu.wait_dma2 semaphore(%arg16 : memref<!tpu.dma_semaphore, #tpu.memory_space<semaphore_mem>>) src(%arg8 : memref<128x128xf32, #tpu.memory_space<vmem>>) dst(%dma_wait3A_312 : memref<128x128xf32, #tpu.memory_space<hbm>>)
      } else {
      }
      %dma_start3A_62 = arith.constant 0 : i32
      %dma_start3A_63 = arith.constant 0 : i32
      %dma_start3A_64 = tpu.memref_slice %arg6[%dma_start3A_62, %dma_start3A_63] : memref<4x128xi32, #tpu.memory_space<vmem>> -> memref<1x128xi32, #tpu.memory_space<vmem>>
      %dma_start3A_65 = tpu.memref_squeeze %dma_start3A_64 : memref<1x128xi32, #tpu.memory_space<vmem>> -> memref<128xi32, #tpu.memory_space<vmem>>
      %dma_start3A_66 = arith.constant 0 : i32
      %dma_start3A_67 = arith.constant 0 : i32
      %dma_start3A_68 = tpu.memref_slice %arg5[%dma_start3A_66, %dma_start3A_67] : memref<100x128xf32, #tpu.memory_space<vmem_shared>> -> memref<100x128xf32, #tpu.memory_space<vmem_shared>>
      tpu.enqueue_indirect_dma source(%dma_start3A_68 : memref<100x128xf32, #tpu.memory_space<vmem_shared>>) target(%arg8 : memref<128x128xf32, #tpu.memory_space<vmem>>) offsets(%dma_start3A_65 : memref<128xi32, #tpu.memory_space<vmem>>) semaphore(%arg12 : memref<!tpu.dma_semaphore, #tpu.memory_space<semaphore_mem>>)
      %gt3A_69 = arith.constant 0 : i32
      %gt3A_70 = arith.cmpi sgt, %mul3A_48, %gt3A_69 : i32
      %convert_element_type3A_71 = arith.extui %gt3A_70 : i1 to i32
      %cond3A_72 = arith.constant 0 : i32
      %cond3A_73 = arith.cmpi ne, %convert_element_type3A_71, %cond3A_72 : i32
      scf.if %cond3A_73 {
        %add3A_303 = arith.constant 1 : i32
        %add3A_304 = arith.addi %mul3A_50, %add3A_303 : i32
        %sub3A = arith.constant 4 : i32
        %sub3A_305 = arith.subi %add3A_304, %sub3A : i32
        %mul3A_306 = arith.constant 128 : i32
        %mul3A_307 = arith.muli %sub3A_305, %mul3A_306 : i32
        %add3A_308 = arith.addi %mul3A_2, %mul3A_307 : i32
        %dma_wait3A_309 = arith.constant 0 : i32
        %dma_wait3A_310 = tpu.memref_slice %arg4[%add3A_308, %dma_wait3A_309] : memref<3276800x128xf32, #tpu.memory_space<hbm>> -> memref<128x128xf32, #tpu.memory_space<hbm>>
        %dma_wait3A_311 = arith.constant 0 : i32
        %dma_wait3A_312 = tpu.memref_slice %arg4[%add3A_308, %dma_wait3A_311] : memref<3276800x128xf32, #tpu.memory_space<hbm>> -> memref<128x128xf32, #tpu.memory_space<hbm>>
        tpu.wait_dma2 semaphore(%arg17 : memref<!tpu.dma_semaphore, #tpu.memory_space<semaphore_mem>>) src(%arg9 : memref<128x128xf32, #tpu.memory_space<vmem>>) dst(%dma_wait3A_312 : memref<128x128xf32, #tpu.memory_space<hbm>>)
      } else {
      }
      %dma_start3A_74 = arith.constant 1 : i32
      %dma_start3A_75 = arith.constant 0 : i32
      %dma_start3A_76 = tpu.memref_slice %arg6[%dma_start3A_74, %dma_start3A_75] : memref<4x128xi32, #tpu.memory_space<vmem>> -> memref<1x128xi32, #tpu.memory_space<vmem>>
      %dma_start3A_77 = tpu.memref_squeeze %dma_start3A_76 : memref<1x128xi32, #tpu.memory_space<vmem>> -> memref<128xi32, #tpu.memory_space<vmem>>
      %dma_start3A_78 = arith.constant 0 : i32
      %dma_start3A_79 = arith.constant 0 : i32
      %dma_start3A_80 = tpu.memref_slice %arg5[%dma_start3A_78, %dma_start3A_79] : memref<100x128xf32, #tpu.memory_space<vmem_shared>> -> memref<100x128xf32, #tpu.memory_space<vmem_shared>>
      tpu.enqueue_indirect_dma source(%dma_start3A_80 : memref<100x128xf32, #tpu.memory_space<vmem_shared>>) target(%arg9 : memref<128x128xf32, #tpu.memory_space<vmem>>) offsets(%dma_start3A_77 : memref<128xi32, #tpu.memory_space<vmem>>) semaphore(%arg13 : memref<!tpu.dma_semaphore, #tpu.memory_space<semaphore_mem>>)
      %gt3A_81 = arith.constant 0 : i32
      %gt3A_82 = arith.cmpi sgt, %mul3A_48, %gt3A_81 : i32
      %convert_element_type3A_83 = arith.extui %gt3A_82 : i1 to i32
      %cond3A_84 = arith.constant 0 : i32
      %cond3A_85 = arith.cmpi ne, %convert_element_type3A_83, %cond3A_84 : i32
      scf.if %cond3A_85 {
        %add3A_303 = arith.constant 2 : i32
        %add3A_304 = arith.addi %mul3A_50, %add3A_303 : i32
        %sub3A = arith.constant 4 : i32
        %sub3A_305 = arith.subi %add3A_304, %sub3A : i32
        %mul3A_306 = arith.constant 128 : i32
        %mul3A_307 = arith.muli %sub3A_305, %mul3A_306 : i32
        %add3A_308 = arith.addi %mul3A_2, %mul3A_307 : i32
        %dma_wait3A_309 = arith.constant 0 : i32
        %dma_wait3A_310 = tpu.memref_slice %arg4[%add3A_308, %dma_wait3A_309] : memref<3276800x128xf32, #tpu.memory_space<hbm>> -> memref<128x128xf32, #tpu.memory_space<hbm>>
        %dma_wait3A_311 = arith.constant 0 : i32
        %dma_wait3A_312 = tpu.memref_slice %arg4[%add3A_308, %dma_wait3A_311] : memref<3276800x128xf32, #tpu.memory_space<hbm>> -> memref<128x128xf32, #tpu.memory_space<hbm>>
        tpu.wait_dma2 semaphore(%arg18 : memref<!tpu.dma_semaphore, #tpu.memory_space<semaphore_mem>>) src(%arg10 : memref<128x128xf32, #tpu.memory_space<vmem>>) dst(%dma_wait3A_312 : memref<128x128xf32, #tpu.memory_space<hbm>>)
      } else {
      }
      %dma_start3A_86 = arith.constant 2 : i32
      %dma_start3A_87 = arith.constant 0 : i32
      %dma_start3A_88 = tpu.memref_slice %arg6[%dma_start3A_86, %dma_start3A_87] : memref<4x128xi32, #tpu.memory_space<vmem>> -> memref<1x128xi32, #tpu.memory_space<vmem>>
      %dma_start3A_89 = tpu.memref_squeeze %dma_start3A_88 : memref<1x128xi32, #tpu.memory_space<vmem>> -> memref<128xi32, #tpu.memory_space<vmem>>
      %dma_start3A_90 = arith.constant 0 : i32
      %dma_start3A_91 = arith.constant 0 : i32
      %dma_start3A_92 = tpu.memref_slice %arg5[%dma_start3A_90, %dma_start3A_91] : memref<100x128xf32, #tpu.memory_space<vmem_shared>> -> memref<100x128xf32, #tpu.memory_space<vmem_shared>>
      tpu.enqueue_indirect_dma source(%dma_start3A_92 : memref<100x128xf32, #tpu.memory_space<vmem_shared>>) target(%arg10 : memref<128x128xf32, #tpu.memory_space<vmem>>) offsets(%dma_start3A_89 : memref<128xi32, #tpu.memory_space<vmem>>) semaphore(%arg14 : memref<!tpu.dma_semaphore, #tpu.memory_space<semaphore_mem>>)
      %gt3A_93 = arith.constant 0 : i32
      %gt3A_94 = arith.cmpi sgt, %mul3A_48, %gt3A_93 : i32
      %convert_element_type3A_95 = arith.extui %gt3A_94 : i1 to i32
      %cond3A_96 = arith.constant 0 : i32
      %cond3A_97 = arith.cmpi ne, %convert_element_type3A_95, %cond3A_96 : i32
      scf.if %cond3A_97 {
        %add3A_303 = arith.constant 3 : i32
        %add3A_304 = arith.addi %mul3A_50, %add3A_303 : i32
        %sub3A = arith.constant 4 : i32
        %sub3A_305 = arith.subi %add3A_304, %sub3A : i32
        %mul3A_306 = arith.constant 128 : i32
        %mul3A_307 = arith.muli %sub3A_305, %mul3A_306 : i32
        %add3A_308 = arith.addi %mul3A_2, %mul3A_307 : i32
        %dma_wait3A_309 = arith.constant 0 : i32
        %dma_wait3A_310 = tpu.memref_slice %arg4[%add3A_308, %dma_wait3A_309] : memref<3276800x128xf32, #tpu.memory_space<hbm>> -> memref<128x128xf32, #tpu.memory_space<hbm>>
        %dma_wait3A_311 = arith.constant 0 : i32
        %dma_wait3A_312 = tpu.memref_slice %arg4[%add3A_308, %dma_wait3A_311] : memref<3276800x128xf32, #tpu.memory_space<hbm>> -> memref<128x128xf32, #tpu.memory_space<hbm>>
        tpu.wait_dma2 semaphore(%arg19 : memref<!tpu.dma_semaphore, #tpu.memory_space<semaphore_mem>>) src(%arg11 : memref<128x128xf32, #tpu.memory_space<vmem>>) dst(%dma_wait3A_312 : memref<128x128xf32, #tpu.memory_space<hbm>>)
      } else {
      }
      %dma_start3A_98 = arith.constant 3 : i32
      %dma_start3A_99 = arith.constant 0 : i32
      %dma_start3A_100 = tpu.memref_slice %arg6[%dma_start3A_98, %dma_start3A_99] : memref<4x128xi32, #tpu.memory_space<vmem>> -> memref<1x128xi32, #tpu.memory_space<vmem>>
      %dma_start3A_101 = tpu.memref_squeeze %dma_start3A_100 : memref<1x128xi32, #tpu.memory_space<vmem>> -> memref<128xi32, #tpu.memory_space<vmem>>
      %dma_start3A_102 = arith.constant 0 : i32
      %dma_start3A_103 = arith.constant 0 : i32
      %dma_start3A_104 = tpu.memref_slice %arg5[%dma_start3A_102, %dma_start3A_103] : memref<100x128xf32, #tpu.memory_space<vmem_shared>> -> memref<100x128xf32, #tpu.memory_space<vmem_shared>>
      tpu.enqueue_indirect_dma source(%dma_start3A_104 : memref<100x128xf32, #tpu.memory_space<vmem_shared>>) target(%arg11 : memref<128x128xf32, #tpu.memory_space<vmem>>) offsets(%dma_start3A_101 : memref<128xi32, #tpu.memory_space<vmem>>) semaphore(%arg15 : memref<!tpu.dma_semaphore, #tpu.memory_space<semaphore_mem>>)
      %dma_wait3A_105 = arith.constant 0 : i32
      %dma_wait3A_106 = arith.constant 0 : i32
      %dma_wait3A_107 = tpu.memref_slice %arg6[%dma_wait3A_105, %dma_wait3A_106] : memref<4x128xi32, #tpu.memory_space<vmem>> -> memref<1x128xi32, #tpu.memory_space<vmem>>
      %dma_wait3A_108 = tpu.memref_squeeze %dma_wait3A_107 : memref<1x128xi32, #tpu.memory_space<vmem>> -> memref<128xi32, #tpu.memory_space<vmem>>
      %dma_wait3A_109 = arith.constant 0 : i32
      %dma_wait3A_110 = arith.constant 0 : i32
      %dma_wait3A_111 = tpu.memref_slice %arg5[%dma_wait3A_109, %dma_wait3A_110] : memref<100x128xf32, #tpu.memory_space<vmem_shared>> -> memref<100x128xf32, #tpu.memory_space<vmem_shared>>
      tpu.wait_indirect_dma semaphore(%arg12 : memref<!tpu.dma_semaphore, #tpu.memory_space<semaphore_mem>>) src(%dma_wait3A_111 : memref<100x128xf32, #tpu.memory_space<vmem_shared>>) dst(%arg8 : memref<128x128xf32, #tpu.memory_space<vmem>>)
      %add3A_112 = arith.constant 0 : i32
      %add3A_113 = arith.addi %mul3A_50, %add3A_112 : i32
      %mul3A_114 = arith.constant 128 : i32
      %mul3A_115 = arith.muli %add3A_113, %mul3A_114 : i32
      %add3A_116 = arith.addi %mul3A_2, %mul3A_115 : i32
      %dma_start3A_117 = arith.constant 0 : i32
      %dma_start3A_118 = tpu.memref_slice %arg4[%add3A_116, %dma_start3A_117] : memref<3276800x128xf32, #tpu.memory_space<hbm>> -> memref<128x128xf32, #tpu.memory_space<hbm>>
      %dma_start3A_119 = arith.constant 0 : i32
      %dma_start3A_120 = tpu.memref_slice %arg4[%add3A_116, %dma_start3A_119] : memref<3276800x128xf32, #tpu.memory_space<hbm>> -> memref<128x128xf32, #tpu.memory_space<hbm>>
      tpu.enqueue_dma source(%arg8 : memref<128x128xf32, #tpu.memory_space<vmem>>) target(%dma_start3A_120 : memref<128x128xf32, #tpu.memory_space<hbm>>) target_semaphore(%arg16 : memref<!tpu.dma_semaphore, #tpu.memory_space<semaphore_mem>>)
      %dma_wait3A_121 = arith.constant 1 : i32
      %dma_wait3A_122 = arith.constant 0 : i32
      %dma_wait3A_123 = tpu.memref_slice %arg6[%dma_wait3A_121, %dma_wait3A_122] : memref<4x128xi32, #tpu.memory_space<vmem>> -> memref<1x128xi32, #tpu.memory_space<vmem>>
      %dma_wait3A_124 = tpu.memref_squeeze %dma_wait3A_123 : memref<1x128xi32, #tpu.memory_space<vmem>> -> memref<128xi32, #tpu.memory_space<vmem>>
      %dma_wait3A_125 = arith.constant 0 : i32
      %dma_wait3A_126 = arith.constant 0 : i32
      %dma_wait3A_127 = tpu.memref_slice %arg5[%dma_wait3A_125, %dma_wait3A_126] : memref<100x128xf32, #tpu.memory_space<vmem_shared>> -> memref<100x128xf32, #tpu.memory_space<vmem_shared>>
      tpu.wait_indirect_dma semaphore(%arg13 : memref<!tpu.dma_semaphore, #tpu.memory_space<semaphore_mem>>) src(%dma_wait3A_127 : memref<100x128xf32, #tpu.memory_space<vmem_shared>>) dst(%arg9 : memref<128x128xf32, #tpu.memory_space<vmem>>)
      %add3A_128 = arith.constant 1 : i32
      %add3A_129 = arith.addi %mul3A_50, %add3A_128 : i32
      %mul3A_130 = arith.constant 128 : i32
      %mul3A_131 = arith.muli %add3A_129, %mul3A_130 : i32
      %add3A_132 = arith.addi %mul3A_2, %mul3A_131 : i32
      %dma_start3A_133 = arith.constant 0 : i32
      %dma_start3A_134 = tpu.memref_slice %arg4[%add3A_132, %dma_start3A_133] : memref<3276800x128xf32, #tpu.memory_space<hbm>> -> memref<128x128xf32, #tpu.memory_space<hbm>>
      %dma_start3A_135 = arith.constant 0 : i32
      %dma_start3A_136 = tpu.memref_slice %arg4[%add3A_132, %dma_start3A_135] : memref<3276800x128xf32, #tpu.memory_space<hbm>> -> memref<128x128xf32, #tpu.memory_space<hbm>>
      tpu.enqueue_dma source(%arg9 : memref<128x128xf32, #tpu.memory_space<vmem>>) target(%dma_start3A_136 : memref<128x128xf32, #tpu.memory_space<hbm>>) target_semaphore(%arg17 : memref<!tpu.dma_semaphore, #tpu.memory_space<semaphore_mem>>)
      %dma_wait3A_137 = arith.constant 2 : i32
      %dma_wait3A_138 = arith.constant 0 : i32
      %dma_wait3A_139 = tpu.memref_slice %arg6[%dma_wait3A_137, %dma_wait3A_138] : memref<4x128xi32, #tpu.memory_space<vmem>> -> memref<1x128xi32, #tpu.memory_space<vmem>>
      %dma_wait3A_140 = tpu.memref_squeeze %dma_wait3A_139 : memref<1x128xi32, #tpu.memory_space<vmem>> -> memref<128xi32, #tpu.memory_space<vmem>>
      %dma_wait3A_141 = arith.constant 0 : i32
      %dma_wait3A_142 = arith.constant 0 : i32
      %dma_wait3A_143 = tpu.memref_slice %arg5[%dma_wait3A_141, %dma_wait3A_142] : memref<100x128xf32, #tpu.memory_space<vmem_shared>> -> memref<100x128xf32, #tpu.memory_space<vmem_shared>>
      tpu.wait_indirect_dma semaphore(%arg14 : memref<!tpu.dma_semaphore, #tpu.memory_space<semaphore_mem>>) src(%dma_wait3A_143 : memref<100x128xf32, #tpu.memory_space<vmem_shared>>) dst(%arg10 : memref<128x128xf32, #tpu.memory_space<vmem>>)
      %add3A_144 = arith.constant 2 : i32
      %add3A_145 = arith.addi %mul3A_50, %add3A_144 : i32
      %mul3A_146 = arith.constant 128 : i32
      %mul3A_147 = arith.muli %add3A_145, %mul3A_146 : i32
      %add3A_148 = arith.addi %mul3A_2, %mul3A_147 : i32
      %dma_start3A_149 = arith.constant 0 : i32
      %dma_start3A_150 = tpu.memref_slice %arg4[%add3A_148, %dma_start3A_149] : memref<3276800x128xf32, #tpu.memory_space<hbm>> -> memref<128x128xf32, #tpu.memory_space<hbm>>
      %dma_start3A_151 = arith.constant 0 : i32
      %dma_start3A_152 = tpu.memref_slice %arg4[%add3A_148, %dma_start3A_151] : memref<3276800x128xf32, #tpu.memory_space<hbm>> -> memref<128x128xf32, #tpu.memory_space<hbm>>
      tpu.enqueue_dma source(%arg10 : memref<128x128xf32, #tpu.memory_space<vmem>>) target(%dma_start3A_152 : memref<128x128xf32, #tpu.memory_space<hbm>>) target_semaphore(%arg18 : memref<!tpu.dma_semaphore, #tpu.memory_space<semaphore_mem>>)
      %dma_wait3A_153 = arith.constant 3 : i32
      %dma_wait3A_154 = arith.constant 0 : i32
      %dma_wait3A_155 = tpu.memref_slice %arg6[%dma_wait3A_153, %dma_wait3A_154] : memref<4x128xi32, #tpu.memory_space<vmem>> -> memref<1x128xi32, #tpu.memory_space<vmem>>
      %dma_wait3A_156 = tpu.memref_squeeze %dma_wait3A_155 : memref<1x128xi32, #tpu.memory_space<vmem>> -> memref<128xi32, #tpu.memory_space<vmem>>
      %dma_wait3A_157 = arith.constant 0 : i32
      %dma_wait3A_158 = arith.constant 0 : i32
      %dma_wait3A_159 = tpu.memref_slice %arg5[%dma_wait3A_157, %dma_wait3A_158] : memref<100x128xf32, #tpu.memory_space<vmem_shared>> -> memref<100x128xf32, #tpu.memory_space<vmem_shared>>
      tpu.wait_indirect_dma semaphore(%arg15 : memref<!tpu.dma_semaphore, #tpu.memory_space<semaphore_mem>>) src(%dma_wait3A_159 : memref<100x128xf32, #tpu.memory_space<vmem_shared>>) dst(%arg11 : memref<128x128xf32, #tpu.memory_space<vmem>>)
      %add3A_160 = arith.constant 3 : i32
      %add3A_161 = arith.addi %mul3A_50, %add3A_160 : i32
      %mul3A_162 = arith.constant 128 : i32
      %mul3A_163 = arith.muli %add3A_161, %mul3A_162 : i32
      %add3A_164 = arith.addi %mul3A_2, %mul3A_163 : i32
      %dma_start3A_165 = arith.constant 0 : i32
      %dma_start3A_166 = tpu.memref_slice %arg4[%add3A_164, %dma_start3A_165] : memref<3276800x128xf32, #tpu.memory_space<hbm>> -> memref<128x128xf32, #tpu.memory_space<hbm>>
      %dma_start3A_167 = arith.constant 0 : i32
      %dma_start3A_168 = tpu.memref_slice %arg4[%add3A_164, %dma_start3A_167] : memref<3276800x128xf32, #tpu.memory_space<hbm>> -> memref<128x128xf32, #tpu.memory_space<hbm>>
      tpu.enqueue_dma source(%arg11 : memref<128x128xf32, #tpu.memory_space<vmem>>) target(%dma_start3A_168 : memref<128x128xf32, #tpu.memory_space<hbm>>) target_semaphore(%arg19 : memref<!tpu.dma_semaphore, #tpu.memory_space<semaphore_mem>>)
      %lt3A = arith.constant 198 : i32
      %lt3A_169 = arith.cmpi slt, %mul3A_48, %lt3A : i32
      %convert_element_type3A_170 = arith.extui %lt3A_169 : i1 to i32
      %cond3A_171 = arith.constant 0 : i32
      %cond3A_172 = arith.cmpi ne, %convert_element_type3A_170, %cond3A_171 : i32
      scf.if %cond3A_172 {
        %add3A_303 = arith.constant 2 : i32
        %add3A_304 = arith.addi %mul3A_48, %add3A_303 : i32
        %mul3A_305 = arith.constant 4 : i32
        %mul3A_306 = arith.muli %add3A_304, %mul3A_305 : i32
        %add3A_307 = arith.addi %mul3A_4, %mul3A_306 : i32
        %dma_start3A_308 = arith.constant 0 : i32
        %dma_start3A_309 = tpu.memref_slice %arg3[%add3A_307, %dma_start3A_308] : memref<25600x128xi32, #tpu.memory_space<hbm>> -> memref<4x128xi32, #tpu.memory_space<hbm>>
        %dma_start3A_310 = arith.constant 0 : i32
        %dma_start3A_311 = tpu.memref_slice %arg3[%add3A_307, %dma_start3A_310] : memref<25600x128xi32, #tpu.memory_space<hbm>> -> memref<4x128xi32, #tpu.memory_space<hbm>>
        tpu.enqueue_dma source(%dma_start3A_311 : memref<4x128xi32, #tpu.memory_space<hbm>>) target(%arg6 : memref<4x128xi32, #tpu.memory_space<vmem>>) target_semaphore(%arg20 : memref<!tpu.dma_semaphore, #tpu.memory_space<semaphore_mem>>)
      } else {
      }
      %mul3A_173 = arith.constant 2 : i32
      %mul3A_174 = arith.muli %mul3A_173, %scan3A_46 : i32
      %add3A_175 = arith.constant 1 : i32
      %add3A_176 = arith.addi %mul3A_174, %add3A_175 : i32
      %mul3A_177 = arith.constant 4 : i32
      %mul3A_178 = arith.muli %add3A_176, %mul3A_177 : i32
      %mul3A_179 = arith.constant 4 : i32
      %mul3A_180 = arith.muli %add3A_176, %mul3A_179 : i32
      %add3A_181 = arith.addi %mul3A_4, %mul3A_180 : i32
      %dma_wait3A_182 = arith.constant 0 : i32
      %dma_wait3A_183 = tpu.memref_slice %arg3[%add3A_181, %dma_wait3A_182] : memref<25600x128xi32, #tpu.memory_space<hbm>> -> memref<4x128xi32, #tpu.memory_space<hbm>>
      %dma_wait3A_184 = arith.constant 0 : i32
      %dma_wait3A_185 = tpu.memref_slice %arg3[%add3A_181, %dma_wait3A_184] : memref<25600x128xi32, #tpu.memory_space<hbm>> -> memref<4x128xi32, #tpu.memory_space<hbm>>
      tpu.wait_dma2 semaphore(%arg21 : memref<!tpu.dma_semaphore, #tpu.memory_space<semaphore_mem>>) src(%dma_wait3A_185 : memref<4x128xi32, #tpu.memory_space<hbm>>) dst(%arg7 : memref<4x128xi32, #tpu.memory_space<vmem>>)
      %gt3A_186 = arith.constant 0 : i32
      %gt3A_187 = arith.cmpi sgt, %add3A_176, %gt3A_186 : i32
      %convert_element_type3A_188 = arith.extui %gt3A_187 : i1 to i32
      %cond3A_189 = arith.constant 0 : i32
      %cond3A_190 = arith.cmpi ne, %convert_element_type3A_188, %cond3A_189 : i32
      scf.if %cond3A_190 {
        %add3A_303 = arith.constant 0 : i32
        %add3A_304 = arith.addi %mul3A_178, %add3A_303 : i32
        %sub3A = arith.constant 4 : i32
        %sub3A_305 = arith.subi %add3A_304, %sub3A : i32
        %mul3A_306 = arith.constant 128 : i32
        %mul3A_307 = arith.muli %sub3A_305, %mul3A_306 : i32
        %add3A_308 = arith.addi %mul3A_2, %mul3A_307 : i32
        %dma_wait3A_309 = arith.constant 0 : i32
        %dma_wait3A_310 = tpu.memref_slice %arg4[%add3A_308, %dma_wait3A_309] : memref<3276800x128xf32, #tpu.memory_space<hbm>> -> memref<128x128xf32, #tpu.memory_space<hbm>>
        %dma_wait3A_311 = arith.constant 0 : i32
        %dma_wait3A_312 = tpu.memref_slice %arg4[%add3A_308, %dma_wait3A_311] : memref<3276800x128xf32, #tpu.memory_space<hbm>> -> memref<128x128xf32, #tpu.memory_space<hbm>>
        tpu.wait_dma2 semaphore(%arg16 : memref<!tpu.dma_semaphore, #tpu.memory_space<semaphore_mem>>) src(%arg8 : memref<128x128xf32, #tpu.memory_space<vmem>>) dst(%dma_wait3A_312 : memref<128x128xf32, #tpu.memory_space<hbm>>)
      } else {
      }
      %dma_start3A_191 = arith.constant 0 : i32
      %dma_start3A_192 = arith.constant 0 : i32
      %dma_start3A_193 = tpu.memref_slice %arg7[%dma_start3A_191, %dma_start3A_192] : memref<4x128xi32, #tpu.memory_space<vmem>> -> memref<1x128xi32, #tpu.memory_space<vmem>>
      %dma_start3A_194 = tpu.memref_squeeze %dma_start3A_193 : memref<1x128xi32, #tpu.memory_space<vmem>> -> memref<128xi32, #tpu.memory_space<vmem>>
      %dma_start3A_195 = arith.constant 0 : i32
      %dma_start3A_196 = arith.constant 0 : i32
      %dma_start3A_197 = tpu.memref_slice %arg5[%dma_start3A_195, %dma_start3A_196] : memref<100x128xf32, #tpu.memory_space<vmem_shared>> -> memref<100x128xf32, #tpu.memory_space<vmem_shared>>
      tpu.enqueue_indirect_dma source(%dma_start3A_197 : memref<100x128xf32, #tpu.memory_space<vmem_shared>>) target(%arg8 : memref<128x128xf32, #tpu.memory_space<vmem>>) offsets(%dma_start3A_194 : memref<128xi32, #tpu.memory_space<vmem>>) semaphore(%arg12 : memref<!tpu.dma_semaphore, #tpu.memory_space<semaphore_mem>>)
      %gt3A_198 = arith.constant 0 : i32
      %gt3A_199 = arith.cmpi sgt, %add3A_176, %gt3A_198 : i32
      %convert_element_type3A_200 = arith.extui %gt3A_199 : i1 to i32
      %cond3A_201 = arith.constant 0 : i32
      %cond3A_202 = arith.cmpi ne, %convert_element_type3A_200, %cond3A_201 : i32
      scf.if %cond3A_202 {
        %add3A_303 = arith.constant 1 : i32
        %add3A_304 = arith.addi %mul3A_178, %add3A_303 : i32
        %sub3A = arith.constant 4 : i32
        %sub3A_305 = arith.subi %add3A_304, %sub3A : i32
        %mul3A_306 = arith.constant 128 : i32
        %mul3A_307 = arith.muli %sub3A_305, %mul3A_306 : i32
        %add3A_308 = arith.addi %mul3A_2, %mul3A_307 : i32
        %dma_wait3A_309 = arith.constant 0 : i32
        %dma_wait3A_310 = tpu.memref_slice %arg4[%add3A_308, %dma_wait3A_309] : memref<3276800x128xf32, #tpu.memory_space<hbm>> -> memref<128x128xf32, #tpu.memory_space<hbm>>
        %dma_wait3A_311 = arith.constant 0 : i32
        %dma_wait3A_312 = tpu.memref_slice %arg4[%add3A_308, %dma_wait3A_311] : memref<3276800x128xf32, #tpu.memory_space<hbm>> -> memref<128x128xf32, #tpu.memory_space<hbm>>
        tpu.wait_dma2 semaphore(%arg17 : memref<!tpu.dma_semaphore, #tpu.memory_space<semaphore_mem>>) src(%arg9 : memref<128x128xf32, #tpu.memory_space<vmem>>) dst(%dma_wait3A_312 : memref<128x128xf32, #tpu.memory_space<hbm>>)
      } else {
      }
      %dma_start3A_203 = arith.constant 1 : i32
      %dma_start3A_204 = arith.constant 0 : i32
      %dma_start3A_205 = tpu.memref_slice %arg7[%dma_start3A_203, %dma_start3A_204] : memref<4x128xi32, #tpu.memory_space<vmem>> -> memref<1x128xi32, #tpu.memory_space<vmem>>
      %dma_start3A_206 = tpu.memref_squeeze %dma_start3A_205 : memref<1x128xi32, #tpu.memory_space<vmem>> -> memref<128xi32, #tpu.memory_space<vmem>>
      %dma_start3A_207 = arith.constant 0 : i32
      %dma_start3A_208 = arith.constant 0 : i32
      %dma_start3A_209 = tpu.memref_slice %arg5[%dma_start3A_207, %dma_start3A_208] : memref<100x128xf32, #tpu.memory_space<vmem_shared>> -> memref<100x128xf32, #tpu.memory_space<vmem_shared>>
      tpu.enqueue_indirect_dma source(%dma_start3A_209 : memref<100x128xf32, #tpu.memory_space<vmem_shared>>) target(%arg9 : memref<128x128xf32, #tpu.memory_space<vmem>>) offsets(%dma_start3A_206 : memref<128xi32, #tpu.memory_space<vmem>>) semaphore(%arg13 : memref<!tpu.dma_semaphore, #tpu.memory_space<semaphore_mem>>)
      %gt3A_210 = arith.constant 0 : i32
      %gt3A_211 = arith.cmpi sgt, %add3A_176, %gt3A_210 : i32
      %convert_element_type3A_212 = arith.extui %gt3A_211 : i1 to i32
      %cond3A_213 = arith.constant 0 : i32
      %cond3A_214 = arith.cmpi ne, %convert_element_type3A_212, %cond3A_213 : i32
      scf.if %cond3A_214 {
        %add3A_303 = arith.constant 2 : i32
        %add3A_304 = arith.addi %mul3A_178, %add3A_303 : i32
        %sub3A = arith.constant 4 : i32
        %sub3A_305 = arith.subi %add3A_304, %sub3A : i32
        %mul3A_306 = arith.constant 128 : i32
        %mul3A_307 = arith.muli %sub3A_305, %mul3A_306 : i32
        %add3A_308 = arith.addi %mul3A_2, %mul3A_307 : i32
        %dma_wait3A_309 = arith.constant 0 : i32
        %dma_wait3A_310 = tpu.memref_slice %arg4[%add3A_308, %dma_wait3A_309] : memref<3276800x128xf32, #tpu.memory_space<hbm>> -> memref<128x128xf32, #tpu.memory_space<hbm>>
        %dma_wait3A_311 = arith.constant 0 : i32
        %dma_wait3A_312 = tpu.memref_slice %arg4[%add3A_308, %dma_wait3A_311] : memref<3276800x128xf32, #tpu.memory_space<hbm>> -> memref<128x128xf32, #tpu.memory_space<hbm>>
        tpu.wait_dma2 semaphore(%arg18 : memref<!tpu.dma_semaphore, #tpu.memory_space<semaphore_mem>>) src(%arg10 : memref<128x128xf32, #tpu.memory_space<vmem>>) dst(%dma_wait3A_312 : memref<128x128xf32, #tpu.memory_space<hbm>>)
      } else {
      }
      %dma_start3A_215 = arith.constant 2 : i32
      %dma_start3A_216 = arith.constant 0 : i32
      %dma_start3A_217 = tpu.memref_slice %arg7[%dma_start3A_215, %dma_start3A_216] : memref<4x128xi32, #tpu.memory_space<vmem>> -> memref<1x128xi32, #tpu.memory_space<vmem>>
      %dma_start3A_218 = tpu.memref_squeeze %dma_start3A_217 : memref<1x128xi32, #tpu.memory_space<vmem>> -> memref<128xi32, #tpu.memory_space<vmem>>
      %dma_start3A_219 = arith.constant 0 : i32
      %dma_start3A_220 = arith.constant 0 : i32
      %dma_start3A_221 = tpu.memref_slice %arg5[%dma_start3A_219, %dma_start3A_220] : memref<100x128xf32, #tpu.memory_space<vmem_shared>> -> memref<100x128xf32, #tpu.memory_space<vmem_shared>>
      tpu.enqueue_indirect_dma source(%dma_start3A_221 : memref<100x128xf32, #tpu.memory_space<vmem_shared>>) target(%arg10 : memref<128x128xf32, #tpu.memory_space<vmem>>) offsets(%dma_start3A_218 : memref<128xi32, #tpu.memory_space<vmem>>) semaphore(%arg14 : memref<!tpu.dma_semaphore, #tpu.memory_space<semaphore_mem>>)
      %gt3A_222 = arith.constant 0 : i32
      %gt3A_223 = arith.cmpi sgt, %add3A_176, %gt3A_222 : i32
      %convert_element_type3A_224 = arith.extui %gt3A_223 : i1 to i32
      %cond3A_225 = arith.constant 0 : i32
      %cond3A_226 = arith.cmpi ne, %convert_element_type3A_224, %cond3A_225 : i32
      scf.if %cond3A_226 {
        %add3A_303 = arith.constant 3 : i32
        %add3A_304 = arith.addi %mul3A_178, %add3A_303 : i32
        %sub3A = arith.constant 4 : i32
        %sub3A_305 = arith.subi %add3A_304, %sub3A : i32
        %mul3A_306 = arith.constant 128 : i32
        %mul3A_307 = arith.muli %sub3A_305, %mul3A_306 : i32
        %add3A_308 = arith.addi %mul3A_2, %mul3A_307 : i32
        %dma_wait3A_309 = arith.constant 0 : i32
        %dma_wait3A_310 = tpu.memref_slice %arg4[%add3A_308, %dma_wait3A_309] : memref<3276800x128xf32, #tpu.memory_space<hbm>> -> memref<128x128xf32, #tpu.memory_space<hbm>>
        %dma_wait3A_311 = arith.constant 0 : i32
        %dma_wait3A_312 = tpu.memref_slice %arg4[%add3A_308, %dma_wait3A_311] : memref<3276800x128xf32, #tpu.memory_space<hbm>> -> memref<128x128xf32, #tpu.memory_space<hbm>>
        tpu.wait_dma2 semaphore(%arg19 : memref<!tpu.dma_semaphore, #tpu.memory_space<semaphore_mem>>) src(%arg11 : memref<128x128xf32, #tpu.memory_space<vmem>>) dst(%dma_wait3A_312 : memref<128x128xf32, #tpu.memory_space<hbm>>)
      } else {
      }
      %dma_start3A_227 = arith.constant 3 : i32
      %dma_start3A_228 = arith.constant 0 : i32
      %dma_start3A_229 = tpu.memref_slice %arg7[%dma_start3A_227, %dma_start3A_228] : memref<4x128xi32, #tpu.memory_space<vmem>> -> memref<1x128xi32, #tpu.memory_space<vmem>>
      %dma_start3A_230 = tpu.memref_squeeze %dma_start3A_229 : memref<1x128xi32, #tpu.memory_space<vmem>> -> memref<128xi32, #tpu.memory_space<vmem>>
      %dma_start3A_231 = arith.constant 0 : i32
      %dma_start3A_232 = arith.constant 0 : i32
      %dma_start3A_233 = tpu.memref_slice %arg5[%dma_start3A_231, %dma_start3A_232] : memref<100x128xf32, #tpu.memory_space<vmem_shared>> -> memref<100x128xf32, #tpu.memory_space<vmem_shared>>
      tpu.enqueue_indirect_dma source(%dma_start3A_233 : memref<100x128xf32, #tpu.memory_space<vmem_shared>>) target(%arg11 : memref<128x128xf32, #tpu.memory_space<vmem>>) offsets(%dma_start3A_230 : memref<128xi32, #tpu.memory_space<vmem>>) semaphore(%arg15 : memref<!tpu.dma_semaphore, #tpu.memory_space<semaphore_mem>>)
      %dma_wait3A_234 = arith.constant 0 : i32
      %dma_wait3A_235 = arith.constant 0 : i32
      %dma_wait3A_236 = tpu.memref_slice %arg7[%dma_wait3A_234, %dma_wait3A_235] : memref<4x128xi32, #tpu.memory_space<vmem>> -> memref<1x128xi32, #tpu.memory_space<vmem>>
      %dma_wait3A_237 = tpu.memref_squeeze %dma_wait3A_236 : memref<1x128xi32, #tpu.memory_space<vmem>> -> memref<128xi32, #tpu.memory_space<vmem>>
      %dma_wait3A_238 = arith.constant 0 : i32
      %dma_wait3A_239 = arith.constant 0 : i32
      %dma_wait3A_240 = tpu.memref_slice %arg5[%dma_wait3A_238, %dma_wait3A_239] : memref<100x128xf32, #tpu.memory_space<vmem_shared>> -> memref<100x128xf32, #tpu.memory_space<vmem_shared>>
      tpu.wait_indirect_dma semaphore(%arg12 : memref<!tpu.dma_semaphore, #tpu.memory_space<semaphore_mem>>) src(%dma_wait3A_240 : memref<100x128xf32, #tpu.memory_space<vmem_shared>>) dst(%arg8 : memref<128x128xf32, #tpu.memory_space<vmem>>)
      %add3A_241 = arith.constant 0 : i32
      %add3A_242 = arith.addi %mul3A_178, %add3A_241 : i32
      %mul3A_243 = arith.constant 128 : i32
      %mul3A_244 = arith.muli %add3A_242, %mul3A_243 : i32
      %add3A_245 = arith.addi %mul3A_2, %mul3A_244 : i32
      %dma_start3A_246 = arith.constant 0 : i32
      %dma_start3A_247 = tpu.memref_slice %arg4[%add3A_245, %dma_start3A_246] : memref<3276800x128xf32, #tpu.memory_space<hbm>> -> memref<128x128xf32, #tpu.memory_space<hbm>>
      %dma_start3A_248 = arith.constant 0 : i32
      %dma_start3A_249 = tpu.memref_slice %arg4[%add3A_245, %dma_start3A_248] : memref<3276800x128xf32, #tpu.memory_space<hbm>> -> memref<128x128xf32, #tpu.memory_space<hbm>>
      tpu.enqueue_dma source(%arg8 : memref<128x128xf32, #tpu.memory_space<vmem>>) target(%dma_start3A_249 : memref<128x128xf32, #tpu.memory_space<hbm>>) target_semaphore(%arg16 : memref<!tpu.dma_semaphore, #tpu.memory_space<semaphore_mem>>)
      %dma_wait3A_250 = arith.constant 1 : i32
      %dma_wait3A_251 = arith.constant 0 : i32
      %dma_wait3A_252 = tpu.memref_slice %arg7[%dma_wait3A_250, %dma_wait3A_251] : memref<4x128xi32, #tpu.memory_space<vmem>> -> memref<1x128xi32, #tpu.memory_space<vmem>>
      %dma_wait3A_253 = tpu.memref_squeeze %dma_wait3A_252 : memref<1x128xi32, #tpu.memory_space<vmem>> -> memref<128xi32, #tpu.memory_space<vmem>>
      %dma_wait3A_254 = arith.constant 0 : i32
      %dma_wait3A_255 = arith.constant 0 : i32
      %dma_wait3A_256 = tpu.memref_slice %arg5[%dma_wait3A_254, %dma_wait3A_255] : memref<100x128xf32, #tpu.memory_space<vmem_shared>> -> memref<100x128xf32, #tpu.memory_space<vmem_shared>>
      tpu.wait_indirect_dma semaphore(%arg13 : memref<!tpu.dma_semaphore, #tpu.memory_space<semaphore_mem>>) src(%dma_wait3A_256 : memref<100x128xf32, #tpu.memory_space<vmem_shared>>) dst(%arg9 : memref<128x128xf32, #tpu.memory_space<vmem>>)
      %add3A_257 = arith.constant 1 : i32
      %add3A_258 = arith.addi %mul3A_178, %add3A_257 : i32
      %mul3A_259 = arith.constant 128 : i32
      %mul3A_260 = arith.muli %add3A_258, %mul3A_259 : i32
      %add3A_261 = arith.addi %mul3A_2, %mul3A_260 : i32
      %dma_start3A_262 = arith.constant 0 : i32
      %dma_start3A_263 = tpu.memref_slice %arg4[%add3A_261, %dma_start3A_262] : memref<3276800x128xf32, #tpu.memory_space<hbm>> -> memref<128x128xf32, #tpu.memory_space<hbm>>
      %dma_start3A_264 = arith.constant 0 : i32
      %dma_start3A_265 = tpu.memref_slice %arg4[%add3A_261, %dma_start3A_264] : memref<3276800x128xf32, #tpu.memory_space<hbm>> -> memref<128x128xf32, #tpu.memory_space<hbm>>
      tpu.enqueue_dma source(%arg9 : memref<128x128xf32, #tpu.memory_space<vmem>>) target(%dma_start3A_265 : memref<128x128xf32, #tpu.memory_space<hbm>>) target_semaphore(%arg17 : memref<!tpu.dma_semaphore, #tpu.memory_space<semaphore_mem>>)
      %dma_wait3A_266 = arith.constant 2 : i32
      %dma_wait3A_267 = arith.constant 0 : i32
      %dma_wait3A_268 = tpu.memref_slice %arg7[%dma_wait3A_266, %dma_wait3A_267] : memref<4x128xi32, #tpu.memory_space<vmem>> -> memref<1x128xi32, #tpu.memory_space<vmem>>
      %dma_wait3A_269 = tpu.memref_squeeze %dma_wait3A_268 : memref<1x128xi32, #tpu.memory_space<vmem>> -> memref<128xi32, #tpu.memory_space<vmem>>
      %dma_wait3A_270 = arith.constant 0 : i32
      %dma_wait3A_271 = arith.constant 0 : i32
      %dma_wait3A_272 = tpu.memref_slice %arg5[%dma_wait3A_270, %dma_wait3A_271] : memref<100x128xf32, #tpu.memory_space<vmem_shared>> -> memref<100x128xf32, #tpu.memory_space<vmem_shared>>
      tpu.wait_indirect_dma semaphore(%arg14 : memref<!tpu.dma_semaphore, #tpu.memory_space<semaphore_mem>>) src(%dma_wait3A_272 : memref<100x128xf32, #tpu.memory_space<vmem_shared>>) dst(%arg10 : memref<128x128xf32, #tpu.memory_space<vmem>>)
      %add3A_273 = arith.constant 2 : i32
      %add3A_274 = arith.addi %mul3A_178, %add3A_273 : i32
      %mul3A_275 = arith.constant 128 : i32
      %mul3A_276 = arith.muli %add3A_274, %mul3A_275 : i32
      %add3A_277 = arith.addi %mul3A_2, %mul3A_276 : i32
      %dma_start3A_278 = arith.constant 0 : i32
      %dma_start3A_279 = tpu.memref_slice %arg4[%add3A_277, %dma_start3A_278] : memref<3276800x128xf32, #tpu.memory_space<hbm>> -> memref<128x128xf32, #tpu.memory_space<hbm>>
      %dma_start3A_280 = arith.constant 0 : i32
      %dma_start3A_281 = tpu.memref_slice %arg4[%add3A_277, %dma_start3A_280] : memref<3276800x128xf32, #tpu.memory_space<hbm>> -> memref<128x128xf32, #tpu.memory_space<hbm>>
      tpu.enqueue_dma source(%arg10 : memref<128x128xf32, #tpu.memory_space<vmem>>) target(%dma_start3A_281 : memref<128x128xf32, #tpu.memory_space<hbm>>) target_semaphore(%arg18 : memref<!tpu.dma_semaphore, #tpu.memory_space<semaphore_mem>>)
      %dma_wait3A_282 = arith.constant 3 : i32
      %dma_wait3A_283 = arith.constant 0 : i32
      %dma_wait3A_284 = tpu.memref_slice %arg7[%dma_wait3A_282, %dma_wait3A_283] : memref<4x128xi32, #tpu.memory_space<vmem>> -> memref<1x128xi32, #tpu.memory_space<vmem>>
      %dma_wait3A_285 = tpu.memref_squeeze %dma_wait3A_284 : memref<1x128xi32, #tpu.memory_space<vmem>> -> memref<128xi32, #tpu.memory_space<vmem>>
      %dma_wait3A_286 = arith.constant 0 : i32
      %dma_wait3A_287 = arith.constant 0 : i32
      %dma_wait3A_288 = tpu.memref_slice %arg5[%dma_wait3A_286, %dma_wait3A_287] : memref<100x128xf32, #tpu.memory_space<vmem_shared>> -> memref<100x128xf32, #tpu.memory_space<vmem_shared>>
      tpu.wait_indirect_dma semaphore(%arg15 : memref<!tpu.dma_semaphore, #tpu.memory_space<semaphore_mem>>) src(%dma_wait3A_288 : memref<100x128xf32, #tpu.memory_space<vmem_shared>>) dst(%arg11 : memref<128x128xf32, #tpu.memory_space<vmem>>)
      %add3A_289 = arith.constant 3 : i32
      %add3A_290 = arith.addi %mul3A_178, %add3A_289 : i32
      %mul3A_291 = arith.constant 128 : i32
      %mul3A_292 = arith.muli %add3A_290, %mul3A_291 : i32
      %add3A_293 = arith.addi %mul3A_2, %mul3A_292 : i32
      %dma_start3A_294 = arith.constant 0 : i32
      %dma_start3A_295 = tpu.memref_slice %arg4[%add3A_293, %dma_start3A_294] : memref<3276800x128xf32, #tpu.memory_space<hbm>> -> memref<128x128xf32, #tpu.memory_space<hbm>>
      %dma_start3A_296 = arith.constant 0 : i32
      %dma_start3A_297 = tpu.memref_slice %arg4[%add3A_293, %dma_start3A_296] : memref<3276800x128xf32, #tpu.memory_space<hbm>> -> memref<128x128xf32, #tpu.memory_space<hbm>>
      tpu.enqueue_dma source(%arg11 : memref<128x128xf32, #tpu.memory_space<vmem>>) target(%dma_start3A_297 : memref<128x128xf32, #tpu.memory_space<hbm>>) target_semaphore(%arg19 : memref<!tpu.dma_semaphore, #tpu.memory_space<semaphore_mem>>)
      %lt3A_298 = arith.constant 198 : i32
      %lt3A_299 = arith.cmpi slt, %add3A_176, %lt3A_298 : i32
      %convert_element_type3A_300 = arith.extui %lt3A_299 : i1 to i32
      %cond3A_301 = arith.constant 0 : i32
      %cond3A_302 = arith.cmpi ne, %convert_element_type3A_300, %cond3A_301 : i32
      scf.if %cond3A_302 {
        %add3A_303 = arith.constant 2 : i32
        %add3A_304 = arith.addi %add3A_176, %add3A_303 : i32
        %mul3A_305 = arith.constant 4 : i32
        %mul3A_306 = arith.muli %add3A_304, %mul3A_305 : i32
        %add3A_307 = arith.addi %mul3A_4, %mul3A_306 : i32
        %dma_start3A_308 = arith.constant 0 : i32
        %dma_start3A_309 = tpu.memref_slice %arg3[%add3A_307, %dma_start3A_308] : memref<25600x128xi32, #tpu.memory_space<hbm>> -> memref<4x128xi32, #tpu.memory_space<hbm>>
        %dma_start3A_310 = arith.constant 0 : i32
        %dma_start3A_311 = tpu.memref_slice %arg3[%add3A_307, %dma_start3A_310] : memref<25600x128xi32, #tpu.memory_space<hbm>> -> memref<4x128xi32, #tpu.memory_space<hbm>>
        tpu.enqueue_dma source(%dma_start3A_311 : memref<4x128xi32, #tpu.memory_space<hbm>>) target(%arg7 : memref<4x128xi32, #tpu.memory_space<vmem>>) target_semaphore(%arg21 : memref<!tpu.dma_semaphore, #tpu.memory_space<semaphore_mem>>)
      } else {
      }
    }
    %scan3A_22 = arith.constant 100 : i32
    %add3A_23 = arith.constant 101888 : i32
    %add3A_24 = arith.addi %mul3A_2, %add3A_23 : i32
    %dma_wait3A = arith.constant 0 : i32
    %dma_wait3A_25 = tpu.memref_slice %arg4[%add3A_24, %dma_wait3A] : memref<3276800x128xf32, #tpu.memory_space<hbm>> -> memref<128x128xf32, #tpu.memory_space<hbm>>
    %dma_wait3A_26 = arith.constant 0 : i32
    %dma_wait3A_27 = tpu.memref_slice %arg4[%add3A_24, %dma_wait3A_26] : memref<3276800x128xf32, #tpu.memory_space<hbm>> -> memref<128x128xf32, #tpu.memory_space<hbm>>
    tpu.wait_dma2 semaphore(%arg16 : memref<!tpu.dma_semaphore, #tpu.memory_space<semaphore_mem>>) src(%arg8 : memref<128x128xf32, #tpu.memory_space<vmem>>) dst(%dma_wait3A_27 : memref<128x128xf32, #tpu.memory_space<hbm>>)
    %add3A_28 = arith.constant 102016 : i32
    %add3A_29 = arith.addi %mul3A_2, %add3A_28 : i32
    %dma_wait3A_30 = arith.constant 0 : i32
    %dma_wait3A_31 = tpu.memref_slice %arg4[%add3A_29, %dma_wait3A_30] : memref<3276800x128xf32, #tpu.memory_space<hbm>> -> memref<128x128xf32, #tpu.memory_space<hbm>>
    %dma_wait3A_32 = arith.constant 0 : i32
    %dma_wait3A_33 = tpu.memref_slice %arg4[%add3A_29, %dma_wait3A_32] : memref<3276800x128xf32, #tpu.memory_space<hbm>> -> memref<128x128xf32, #tpu.memory_space<hbm>>
    tpu.wait_dma2 semaphore(%arg17 : memref<!tpu.dma_semaphore, #tpu.memory_space<semaphore_mem>>) src(%arg9 : memref<128x128xf32, #tpu.memory_space<vmem>>) dst(%dma_wait3A_33 : memref<128x128xf32, #tpu.memory_space<hbm>>)
    %add3A_34 = arith.constant 102144 : i32
    %add3A_35 = arith.addi %mul3A_2, %add3A_34 : i32
    %dma_wait3A_36 = arith.constant 0 : i32
    %dma_wait3A_37 = tpu.memref_slice %arg4[%add3A_35, %dma_wait3A_36] : memref<3276800x128xf32, #tpu.memory_space<hbm>> -> memref<128x128xf32, #tpu.memory_space<hbm>>
    %dma_wait3A_38 = arith.constant 0 : i32
    %dma_wait3A_39 = tpu.memref_slice %arg4[%add3A_35, %dma_wait3A_38] : memref<3276800x128xf32, #tpu.memory_space<hbm>> -> memref<128x128xf32, #tpu.memory_space<hbm>>
    tpu.wait_dma2 semaphore(%arg18 : memref<!tpu.dma_semaphore, #tpu.memory_space<semaphore_mem>>) src(%arg10 : memref<128x128xf32, #tpu.memory_space<vmem>>) dst(%dma_wait3A_39 : memref<128x128xf32, #tpu.memory_space<hbm>>)
    %add3A_40 = arith.constant 102272 : i32
    %add3A_41 = arith.addi %mul3A_2, %add3A_40 : i32
    %dma_wait3A_42 = arith.constant 0 : i32
    %dma_wait3A_43 = tpu.memref_slice %arg4[%add3A_41, %dma_wait3A_42] : memref<3276800x128xf32, #tpu.memory_space<hbm>> -> memref<128x128xf32, #tpu.memory_space<hbm>>
    %dma_wait3A_44 = arith.constant 0 : i32
    %dma_wait3A_45 = tpu.memref_slice %arg4[%add3A_41, %dma_wait3A_44] : memref<3276800x128xf32, #tpu.memory_space<hbm>> -> memref<128x128xf32, #tpu.memory_space<hbm>>
    tpu.wait_dma2 semaphore(%arg19 : memref<!tpu.dma_semaphore, #tpu.memory_space<semaphore_mem>>) src(%arg11 : memref<128x128xf32, #tpu.memory_space<vmem>>) dst(%dma_wait3A_45 : memref<128x128xf32, #tpu.memory_space<hbm>>)
    return
  }
}

module attributes {stable_mosaic.version = 14 : i64} {
  func.func @_project_body(%arg0: memref<100x128xf32, #tpu.memory_space<vmem>>, %arg1: memref<128x128xf32, #tpu.memory_space<vmem>>, %arg2: memref<1x128xf32, #tpu.memory_space<vmem>>, %arg3: memref<100x128xf32, #tpu.memory_space<vmem>>) attributes {dimension_semantics = [], scalar_prefetch = 0 : i64, scratch_operands = 0 : i64, tpu.core_type = #tpu.core_type<tc>} {
    %get3A = arith.constant 0 : index
    %get3A_0 = arith.constant 0 : index
    %get3A_1 = vector.load %arg0[%get3A, %get3A_0] : memref<100x128xf32, #tpu.memory_space<vmem>>, vector<100x128xf32>
    %get3A_2 = arith.constant 0 : index
    %get3A_3 = arith.constant 0 : index
    %get3A_4 = vector.load %arg1[%get3A_2, %get3A_3] : memref<128x128xf32, #tpu.memory_space<vmem>>, vector<128x128xf32>
    %dot_general3A = arith.constant dense<0.000000e+00> : vector<100x128xf32>
    %dot_general3A_5 = tpu.matmul %get3A_1, %get3A_4, %dot_general3A {dimension_numbers = #tpu.dot_dimension_numbers<[1], [1], [0], [0], [0, 0, 1, 0], [], []>, transpose_lhs_hint = false} : vector<100x128xf32>, vector<128x128xf32>, vector<100x128xf32> -> vector<100x128xf32>
    %get3A_6 = arith.constant 0 : index
    %get3A_7 = arith.constant 0 : index
    %get3A_8 = vector.load %arg2[%get3A_6, %get3A_7] : memref<1x128xf32, #tpu.memory_space<vmem>>, vector<1x128xf32>
    %add3A = vector.broadcast %get3A_8 : vector<1x128xf32> to vector<100x128xf32>
    %add3A_9 = arith.addf %dot_general3A_5, %add3A : vector<100x128xf32>
    %swap3A = arith.constant 0 : index
    %swap3A_10 = arith.constant 0 : index
    %swap3A_11 = vector.load %arg3[%swap3A, %swap3A_10] : memref<100x128xf32, #tpu.memory_space<vmem>>, vector<100x128xf32>
    tpu.vector_store %arg3[%swap3A, %swap3A_10], %add3A_9 {strides = array<i32>} : memref<100x128xf32, #tpu.memory_space<vmem>>, vector<100x128xf32>,
    return
  }
}

</mosaic_0001>

<sc_bundles>
// kernel: kernel.4.cloned.1.call-start
scs
__scs_entry_jumppad:
0x0: {  	(pc) =	sbr.rel $0x88, $3  }
0x1: {  	(tag) =	ssettag $0x0;
	lr =	simm.s32 $0x1  }
0x2: {  	[smem:$0x3F9D] =	sst lr;
	_ =	strace $0xD0000000  }
0x3: {  	_ = 	snop  }
0x4: {  	_ = 	snop  }
0x5: {  	_ = 	snop  }
0x6: {  	_ = 	snop  }
0x7: {  	_ = 	snop  }
__scs_overlays_trampoline_lowered:
0x8: {  	[smem:$0x3FAC] =	sst s0  }
0x9: {  	[smem:$0x3FAD] =	sst s1  }
0xa: {  	[smem:$0x3FAE] =	sst s2  }
0xb: {  	[smem:$0x3FAF] =	sst s3  }
0xc: {  	[smem:$0x3FB0] =	sst s4  }
0xd: {  	[smem:$0x3FB1] =	sst s5  }
0xe: {  	[smem:$0x3FB2] =	sst s6  }
0xf: {  	[smem:$0x3FB3] =	sst s7  }
0x10: {  	[smem:$0x3FB4] =	sst s8  }
0x11: {  	[smem:$0x3FB5] =	sst s9;
	s0 =	simm.s32 @!p0 $0x0  }
0x12: {  	s1 =	sld [smem:$0x3F9B];
	s0 =	simm.s32 @p0 $0x1  }
0x13: {  	[smem:$0x3FB6] =	sst s0;
	s0 =	simm.s32 @!p1 $0x0  }
0x14: {  	s2 =	sld [smem:$0x3F9A];
	s0 =	simm.s32 @p1 $0x1  }
0x15: {  	[smem:$0x3FB7] =	sst s0;
	s0 =	simm.s32 @!p2 $0x0  }
0x16: {  	s3 =	sld [smem:$0x3FDB];
	s0 =	simm.s32 @p2 $0x1  }
0x17: {  	s4 =	simm.s32 $0x1BF5;
	[smem:$0x3FB9] =	sst s0  }
0x18: {  	s0 =	sld [smem:$0x3F9C];
	_ =	swait.ge [sflag:s4], $0x0  }
0x19: {  	s7 =	sld [smem:$0x3F9D]  }
0x1a: {  	s8 =	sadd.s32 $0xFFFFE003, lr  }
0x1b: {  	s9 =	sadd.s32 $0xFFFFFEF7, lr;
	s5 =	simm.s32 $0xFFFFFFFF;
	p2 =	slt.u32 s8, $0xFFFFF086  }
0x1c: {  	p1 =	slt.u32 s9, $0xF7A;
	s5 =	simm.s32 @!p2 $0x0  }
0x1d: {  	s5 =	simm.s32 @p1 $0x1;
	p0 =	seq.s32 s7, s2  }
0x1e: {  	s7 =	smul.u32 @!p0 $0xF7A, s2;
	p2 =	seq.s32 @!p0 s5, $0x0  }
0x1f: {  	s9 =	smul.u32 $0xF7A, s1;
	s8 =	simm.s32 @!p0 $0x1BF5;
	p2 =	por !p2, p0  }
0x20: {  	[sflag:s8] =	ssyncset.s32 @!p0 $0xFFFFF086;
	s6 =	sadd.s32 @!p0 s3, s7;
	s7 =	simm.s32 @!p0 $0x108  }
0x21: {  	s3 =	sadd.s32 s3, s9;
	s6 =	sadd.s32 @!p0 $0x88, s6;
	s7 =	simm.s32 @p2 $0x1082  }
0x22: {  	[simem:s7], [sflag:s8] =	dma.local @!p0 [hbm:s6], $0xF7A  }
0x23: {  	s9 =	sor.u32 $0xD0000000, s2;
	s6 =	simm.s32 $0x108;
	_ =	swait.ge @!p0 [sflag:s8], $0x0  }
0x24: {  	s3 =	sadd.s32 $0x88, s3;
	s6 =	simm.s32 @!p1 $0x1082;
	[sflag:s4] =	ssyncset.s32 $0xFFFFF086  }
0x25: {  	[simem:s6], [sflag:s4] =	dma.local [hbm:s3], $0xF7A  }
0x26: {  	[smem:$0x3F9D] =	sst s1;
	(tag) =	ssettag s2;
	_ =	strace s9  }
0x27: {  	s1 =	sld [smem:$0x3FAD]  }
0x28: {  	s2 =	sld [smem:$0x3FAE]  }
0x29: {  	s4 =	sld [smem:$0x3FB0]  }
0x2a: {  	p0 =	seq.s32 s5, $0x0;
	s5 =	sld [smem:$0x3FB1]  }
0x2b: {  	s6 =	sld [smem:$0x3FB2]  }
0x2c: {  	s7 =	sld [smem:$0x3FB3]  }
0x2d: {  	s3 =	simm.s32 $0x108;
	s8 =	sld [smem:$0x3FB4]  }
0x2e: {  	s3 =	simm.s32 @!p0 $0x1082;
	s9 =	sld [smem:$0x3FB5]  }
0x2f: {  	lr =	sadd.s32 s0, s3;
	s0 =	sld [smem:$0x3FAC]  }
0x30: {  	s3 =	sld [smem:$0x3FAF]  }
0x31: {  	[smem:$0x3FB8] =	sst s10  }
0x32: {  	s10 =	sld [smem:$0x3FB6];
	_ =	sdelay $0x3  }
0x33: {  	p0 =	seq.s32 s10, $0x1;
	s10 =	sld [smem:$0x3FB8];
	_ =	sdelay $0x3  }
0x34: {  	[smem:$0x3FB8] =	sst s10  }
0x35: {  	s10 =	sld [smem:$0x3FB7];
	_ =	sdelay $0x3  }
0x36: {  	p1 =	seq.s32 s10, $0x1;
	s10 =	sld [smem:$0x3FB8];
	_ =	sdelay $0x3  }
0x37: {  	[smem:$0x3FB8] =	sst s10  }
0x38: {  	s10 =	sld [smem:$0x3FB9]  }
0x39: {  	_ = 	snop;
	(pc) =	sbr.ind lr, $3  }
0x3a: {  	_ = 	snop  }
0x3b: {  	_ = 	snop  }
0x3c: {  	p2 =	seq.s32 s10, $0x1;
	s10 =	sld [smem:$0x3FB8]  }
0x3d: {  	_ =	shalt  }
0x3e: {  	_ =	shalt  }
0x3f: {  	_ =	shalt  }
0x40: {  	_ =	shalt  }
0x41: {  	_ =	shalt  }
0x42: {  	_ =	shalt  }
0x43: {  	_ =	shalt  }
0x44: {  	_ =	shalt  }
0x45: {  	_ =	shalt  }
0x46: {  	_ =	shalt  }
0x47: {  	_ =	shalt  }
0x48: {  	_ =	shalt  }
0x49: {  	_ =	shalt  }
0x4a: {  	_ =	shalt  }
0x4b: {  	_ =	shalt  }
0x4c: {  	_ =	shalt  }
0x4d: {  	_ =	shalt  }
0x4e: {  	_ =	shalt  }
0x4f: {  	_ =	shalt  }
0x50: {  	_ =	shalt  }
0x51: {  	_ =	shalt  }
0x52: {  	_ =	shalt  }
0x53: {  	_ =	shalt  }
0x54: {  	_ =	shalt  }
0x55: {  	_ =	shalt  }
0x56: {  	_ =	shalt  }
0x57: {  	_ =	shalt  }
0x58: {  	_ =	shalt  }
0x59: {  	_ =	shalt  }
0x5a: {  	_ =	shalt  }
0x5b: {  	_ =	shalt  }
0x5c: {  	_ =	shalt  }
0x5d: {  	_ =	shalt  }
0x5e: {  	_ =	shalt  }
0x5f: {  	_ =	shalt  }
0x60: {  	_ =	shalt  }
0x61: {  	_ =	shalt  }
0x62: {  	_ =	shalt  }
0x63: {  	_ =	shalt  }
0x64: {  	_ =	shalt  }
0x65: {  	_ =	shalt  }
0x66: {  	_ =	shalt  }
0x67: {  	_ =	shalt  }
0x68: {  	_ =	shalt  }
0x69: {  	_ =	shalt  }
0x6a: {  	_ =	shalt  }
0x6b: {  	_ =	shalt  }
0x6c: {  	_ =	shalt  }
0x6d: {  	_ =	shalt  }
0x6e: {  	_ =	shalt  }
0x6f: {  	_ =	shalt  }
0x70: {  	_ =	shalt  }
0x71: {  	_ =	shalt  }
0x72: {  	_ =	shalt  }
0x73: {  	_ =	shalt  }
0x74: {  	_ =	shalt  }
0x75: {  	_ =	shalt  }
0x76: {  	_ =	shalt  }
0x77: {  	_ =	shalt  }
0x78: {  	_ =	shalt  }
0x79: {  	_ =	shalt  }
0x7a: {  	_ =	shalt  }
0x7b: {  	_ =	shalt  }
0x7c: {  	_ =	shalt  }
0x7d: {  	_ =	shalt  }
0x7e: {  	_ =	shalt  }
0x7f: {  	_ =	shalt  }
0x80: {  	_ =	shalt  }
0x81: {  	_ =	shalt  }
0x82: {  	_ =	shalt  }
0x83: {  	_ =	shalt  }
0x84: {  	_ =	shalt  }
0x85: {  	_ =	shalt  }
0x86: {  	_ =	shalt  }
0x87: {  	_ =	shalt  }
.Lfunc_end0:
.L_simem_size_0:
called_computation_lowered:
.L_overlay_start_0:
0x88: {  	s2 =	sld [smem:$0x3FD9]  }
0x89: {  	s3 =	sld [smem:$0x3FFE];
	_ =	sdelay $0x1  }
0x8a: {  	s1 =	srdreg.scid  }
0x8b: {  	s0 =	sand.u32 $0x1, s1  }
0x8c: {  	s17 =	sshll.u32 s0, $0xA;
	s2 =	sadd.s32 s3, s2  }
0x8d: {  	s2 =	sadd.s32 s2, s17  }
0x8e: {  	[smem:$0x3FC4] =	sst s2  }
0x8f: {  	_ = 	snop  }
0x90: {  	s2 =	sld [smem:$0x3FD0];
	(tm) =	ssettm $0x1  }
0x91: {  	s18 =	sld [smem:$0x3FFB];
	_ =	sdelay $0x3  }
0x92: {  	_ =	strace s18  }
0x93: {  	s3 =	sld [smem:$0x3FFC];
	_ =	sdelay $0x3  }
0x94: {  	_ =	strace s3  }
0x95: {  	s3 =	sld [smem:$0x3FFD];
	_ =	sdelay $0x3  }
0x96: {  	_ =	strace s3  }
0x97: {  	_ =	strace $0x8FFFFFFF  }
0x98: {  	s19 =	sld [smem:$0x3FDB];
	_ =	sdelay $0x1  }
0x99: {  	s4 =	simm.s32 $_scs_section_size  }
0x9a: {  	s5 =	simm.s32 $_size__tile_overlayer_lowered;
	s6 =	simm.s32 $_tile_overlayer_lowered  }
0x9b: {  	s22 =	simm.s32 $0x1BFF;
	s21 =	sshll.u32 s6, $0x1;
	s3 =	sadd.s32 s4, s19  }
0x9c: {  	s7 =	simm.s32 $0x0;
	s20 =	sshll.u32 s5, $0x1;
	s5 =	sadd.s32 s21, s3  }
0x9d: {  	[timem:s7], [sflag:s22] =	dma.local [hbm:s5], s20  }
0x9e: {  	_ =	swait.ge [sflag:s22], s20  }
0x9f: {  	s4 =	ssub.s32 $0x0, s20;
	[sflag:s22] =	ssyncset.done $0x0  }
0xa0: {  	[sflag:s22] =	ssyncadd.s32 s4;
	_ =	sdelay $0x1  }
0xa1: {  	s23 =	simm.s32 $0x1B8B  }
0xa2: {  	_ =	swait.ge [sflag:s23], $0x1  }
0xa3: {  	[sflag:s23] =	ssyncset.done $0x0  }
0xa4: {  	s25 =	simm.s32 $0x1B8E;
	s24 =	sld [smem:$0x3FFE];
	[sflag:s23] =	ssyncadd.s32 $0xFFFFFFFF  }
0xa5: {  	s26 =	simm.s32 $execute0_lowered;
	[smem:$0x3FD2] =	sst s25  }
0xa6: {  	s5 =	sshll.u32 s26, $0x1;
	_ =	strace $0x80000046;
	[dreg:$0x1] =	wrdreg $0xFFFFFFFF  }
0xa7: {  	s28 =	simm.s32 $_size_execute0_lowered;
	s3 =	sadd.s32 s3, s5;
	[dreg:$0x0] =	wrdreg $0x0  }
0xa8: {  	s5 =	sshll.u32 s28, $0x1;
	[dreg:$0x2] =	wrdreg s3  }
0xa9: {  	[dreg:$0x3] =	wrdreg s5  }
0xaa: {  	[dreg:$0x4] =	wrdreg $0xC0  }
0xab: {  	_ =	task [dreg:s7], $0x5FFFF  }
0xac: {  	[dreg:$0x1] =	wrdreg $0xFFFFFFFF  }
0xad: {  	[dreg:$0x0] =	wrdreg $0x60  }
0xae: {  	[dreg:$0x2] =	wrdreg s24  }
0xaf: {  	[dreg:$0x3] =	wrdreg s2  }
0xb0: {  	[dreg:$0x4] =	wrdreg $0x0  }
0xb1: {  	[dreg:$0x5] =	wrdreg $0x9  }
0xb2: {  	_ =	task.clear_ibuf [dreg:s7], $0x6FFFF;
	_ =	strace $0x90000046  }
0xb3: {  	s29 =	simm.s32 $0x9;
	_ =	strace $0x80000048  }
0xb4: {  	_ =	swait.ge [sflag:s29], $0x1  }
0xb5: {  	[sflag:s29] =	ssyncadd.s32 $0xFFFFFFFF  }
0xb6: {  	_ =	strace $0x90000048  }
0xb7: {  	_ =	sfence  }
0xb8: {  	s30 =	sld [smem:$0x0];
	_ =	sdelay $0x2  }
0xb9: {  	s31 =	sshll.u32 s1, $0xD;
	s1 =	sshrl.u32 s1, $0x2  }
0xba: {  	s3 =	sand.u32 $0x4000, s31;
	s1 =	sadd.s32 s1, s30  }
0xbb: {  	s0 =	sor.u32 s3, s0;
	s1 =	sshll.u32 s1, $0x11  }
0xbc: {  	s0 =	sor.u32 s1, s0  }
0xbd: {  	s0 =	sadd.s32 $0x8F2B, s0  }
0xbe: {  	[sflag:s0] =	ssyncadd.remote.s32 $0x1  }
0xbf: {  	_ =	sfence.sel $0xFFFF  }
0xc0: {  	[dreg:$0x0] =	wrdreg $0xFFFFFFFF;
	(pc) =	sbr.abs _section_cstart, $3  }
0xc1: {  	[dreg:$0x1] =	wrdreg $0xFFFFFFFF  }
0xc2: {  	_ =	task.clear_ibuf [dreg:s7], $0x2FFFF;
	_ =	strace $0x9FFFFFFF  }
0xc3: {  	(tm) =	ssettm $0x7FFFFFFF  }
tec
execute0_lowered:
.L_overlay_start_1:
0x0: {  	(tag) =	ssettag $0x1  }
0x1: {  	s0 =	rddreg [dreg:$0x0]  }
0x2: {  	s3 =	rddreg [dreg:$0x1]  }
0x3: {  	s2 =	srdreg.scid;
	s5 =	stileid.u32  }
0x4: {  	s1 =	rddreg [dreg:$0x2];
	s12 =	simm.s32 $0x520;
	s14 =	simm.s32 $0x9  }
0x5: {  	s15 =	simm.s32 $0x80;
	s16 =	simm.s32 $0x4A0;
	s17 =	simm.s32 $0xC720  }
0x6: {  	s18 =	simm.s32 $0x1;
	s19 =	simm.s32 $0x720;
	s28 =	simm.s32 $0x6  }
0x7: {  	s29 =	simm.s32 $0x5A0;
	s30 =	simm.s32 $0x7;
	s6 =	smul.u32 $0x6400, s5  }
0x8: {  	s31 =	simm.s32 $0x620;
	s7 =	sand.u32 $0x1, s2;
	s11 =	smul.u32 $0x1900000, s5  }
0x9: {  	s4 =	sshll.u32 s5, $0x1;
	s2 =	simm.s32 $0x0;
	s24 =	smul.u32 $0x320000, s5  }
0xa: {  	s8 =	sadd.s32 $0x64C00, s0;
	s0 =	sadd.s32 $0xC00, s0;
	s9 =	smul.u32 $0x3200, s7  }
0xb: {  	p0 =	sne.s32 s5, $0x0;
	s4 =	sor.u32 s7, s4;
	s21 =	smul.u32 $0xC80000, s7  }
0xc: {  	[smem:$0x7FF] =	sst s2;
	s20 =	ssub.s32 $0x2, s7;
	s25 =	smul.u32 $0x190000, s7  }
0xd: {  	s4 =	smul.u32 $0x3200, s4;
	_ =	strace $0x80000047;
	s10 =	sshrl.u32 s20, $0x1  }
0xe: {  	[dreg:$0x4] =	wrdreg s8;
	s8 =	ssub.s32 s20, s10;
	s23 =	sadd.s32 s21, s11  }
0xf: {  	s20 =	simm.s32 $0x2;
	s21 =	simm.s32 $0x4720;
	s11 =	simm.s32 $0x6A0  }
0x10: {  	s4 =	sadd.s32 s0, s4;
	s22 =	smax.u32 s8, $0x1;
	s0 =	sadd.s32 s6, s0  }
0x11: {  	s26 =	sor.u32 $0x10000, s23;
	s8 =	sshrl.u32 s23, $0x3;
	[dreg:$0x5] =	wrdreg s4  }
0x12: {  	s23 =	simm.s32 $0x8720;
	s4 =	sadd.s32 $0x40, s4;
	[dreg:$0x7] =	wrdreg s22  }
0x13: {  	s0 =	sadd.s32 s9, s0;
	s9 =	sadd.s32 s24, s3;
	s7 =	sshrl.u32 s26, $0x3  }
.Ltmp0:
0x14: {  	s8 =	sadd.s32 s8, s3;
	s22 =	simm.s32 $0x3;
	(pc) =	sbr.rel .LBB2_1-.Ltmp0, $4  }
0x15: {  	s24 =	simm.s32 $0x4;
	s26 =	simm.s32 $0x5;
	[dreg:$0x6] =	wrdreg s4  }
0x16: {  	s0 =	sadd.s32 $0xC0, s0;
	s9 =	sadd.s32 s25, s9;
	s10 =	sadd.s32 s7, s3  }
0x17: {  	s25 =	simm.s32 $0xA;
	[dreg:$0x8] =	wrdreg s0;
	s0 =	sshrl.u32 @!p0 s1, $0x3  }
0x18: {  	s4 =	simm.s32 $0x0;
	[dreg:$0x9] =	wrdreg s0;
	s0 =	simm.s32 $0x8  }
.LBB2_4:
0x19: {  	_ =	swait.ge [sflag:s26], $0x4000  }
0x1a: {  	[sflag:s26] =	ssyncset.done $0x0  }
0x1b: {  	[sflag:s26] =	ssyncadd.s32 $0xFFFFC000  }
0x1c: {  	_ =	swait.ge [sflag:s28], $0x4000  }
0x1d: {  	[sflag:s28] =	ssyncset.done $0x0  }
0x1e: {  	[sflag:s28] =	ssyncadd.s32 $0xFFFFC000  }
0x1f: {  	_ =	swait.ge [sflag:s30], $0x4000  }
0x20: {  	[sflag:s30] =	ssyncset.done $0x0  }
0x21: {  	[sflag:s30] =	ssyncadd.s32 $0xFFFFC000  }
0x22: {  	_ =	swait.ge [sflag:s0], $0x4000  }
0x23: {  	s4 =	rddreg [dreg:$0xa]  }
0x24: {  	s3 =	rddreg [dreg:$0x7];
	s4 =	sadd.s32 $0x1, s4  }
0x25: {  	p1 =	sne.s32 s4, s3  }
.Ltmp1:
0x26: {  	_ = 	snop;
	(pc) =	sbr.rel @!p1 .LBB2_5-.Ltmp1, $3  }
0x27: {  	_ =	sdelay $0x1  }
0x28: {  	[sflag:s0] =	ssyncset.done $0x0  }
0x29: {  	[sflag:s0] =	ssyncadd.s32 $0xFFFFC000  }
.LBB2_1:
0x2a: {  	[dreg:$0xa] =	wrdreg s4  }
0x2b: {  	s3 =	rddreg [dreg:$0x5]  }
0x2c: {  	s13 =	rddreg [dreg:$0x6]  }
0x2d: {  	s7 =	simm.s32 $0x320;
	s4 =	rddreg [dreg:$0x9]  }
0x2e: {  	[tilespmem:s7], [sflag:$0x9] =	stream.linear.gather [hbm4b:s3+s2], $0x200, $0x38;
	[tilespmem:$0x10720] =	vst v63  }
0x2f: {  	s5 =	simm.s32 @!p0 $0x1C0B;
	s3 =	rddreg [dreg:$0x4]  }
0x30: {  	[tilespmem:s12], [sflag:$0xA] =	stream.linear.gather [hbm4b:s13+s2], $0x200, $0x38;
	[tilespmem:$0x10720] =	vst v63  }
0x31: {  	[spmem:s4], [sflag:s5] =	dma.local @!p0 [hbm:s3], $0x640  }
0x32: {  	s5 =	simm.s32 @!p0 $0xB  }
0x33: {  	_ =	swait.ge @!p0 [sflag:s5], $0x640  }
0x34: {  	[sflag:s5] =	ssyncset.done @!p0 $0x0  }
0x35: {  	[sflag:s5] =	ssyncadd.s32 @!p0 $0xFFFFF9C0  }
0x36: {  	[bflag:$0x0] =	sbarrier.arrive $0xFFFF  }
0x37: {  	s5 =	simm.s32 $0x0;
	s7 =	rddreg [dreg:$0x8]  }
.LBB2_2:
0x38: {  	_ =	swait.ge [sflag:s14], $0x200;
	p1 =	seq.s32 s5, $0x0  }
0x39: {  	[sflag:s14] =	ssyncset.done $0x0;
	s4 =	simm.s32 @p1 $0x80  }
0x3a: {  	s6 =	simm.s32 @p1 $0x320;
	s13 =	simm.s32 @p1 $0x720;
	[sflag:s14] =	ssyncadd.s32 $0xFFFFFE00  }
0x3b: {  	[tilespmem:s13], [sflag:$0x1] =	stream.indirect.gather @p1 [spmem:s1], $0x80, s6, s4, $0xb8;
	[tilespmem:$0x10720] =	vst v63  }
0x3c: {  	s6 =	simm.s32 @p1 $0x3A0;
	s13 =	simm.s32 @p1 $0x4720  }
0x3d: {  	[tilespmem:s13], [sflag:$0x2] =	stream.indirect.gather @p1 [spmem:s1], $0x80, s6, s4, $0xb8;
	[tilespmem:$0x10720] =	vst v63  }
0x3e: {  	s6 =	simm.s32 @p1 $0x420;
	s13 =	simm.s32 @p1 $0x8720  }
0x3f: {  	[tilespmem:s13], [sflag:$0x3] =	stream.indirect.gather @p1 [spmem:s1], $0x80, s6, s4, $0xb8;
	[tilespmem:$0x10720] =	vst v63  }
0x40: {  	s4 =	simm.s32 @!p1 $0x5  }
0x41: {  	_ =	swait.ge @!p1 [sflag:s4], $0x4000  }
0x42: {  	s6 =	simm.s32 @!p1 $0x320;
	[sflag:s4] =	ssyncset.done @!p1 $0x0  }
0x43: {  	s13 =	simm.s32 @!p1 $0x720;
	[sflag:s4] =	ssyncadd.s32 @!p1 $0xFFFFC000;
	s4 =	simm.s32 @!p1 $0x80  }
0x44: {  	[tilespmem:s13], [sflag:$0x1] =	stream.indirect.gather @!p1 [spmem:s1], $0x80, s6, s4, $0xb8;
	[tilespmem:$0x10720] =	vst v63  }
0x45: {  	s6 =	simm.s32 @!p1 $0x6  }
0x46: {  	_ =	swait.ge @!p1 [sflag:s6], $0x4000  }
0x47: {  	[sflag:s6] =	ssyncset.done @!p1 $0x0  }
0x48: {  	s13 =	simm.s32 @!p1 $0x4720;
	[sflag:s6] =	ssyncadd.s32 @!p1 $0xFFFFC000;
	s6 =	simm.s32 @!p1 $0x3A0  }
0x49: {  	[tilespmem:s13], [sflag:$0x2] =	stream.indirect.gather @!p1 [spmem:s1], $0x80, s6, s4, $0xb8;
	[tilespmem:$0x10720] =	vst v63  }
0x4a: {  	s6 =	simm.s32 @!p1 $0x7  }
0x4b: {  	_ =	swait.ge @!p1 [sflag:s6], $0x4000  }
0x4c: {  	[sflag:s6] =	ssyncset.done @!p1 $0x0  }
0x4d: {  	s13 =	simm.s32 @!p1 $0x8720;
	[sflag:s6] =	ssyncadd.s32 @!p1 $0xFFFFC000;
	s6 =	simm.s32 @!p1 $0x420  }
0x4e: {  	[tilespmem:s13], [sflag:$0x3] =	stream.indirect.gather @!p1 [spmem:s1], $0x80, s6, s4, $0xb8;
	[tilespmem:$0x10720] =	vst v63  }
0x4f: {  	s4 =	simm.s32 @!p1 $0x8  }
0x50: {  	_ =	swait.ge @!p1 [sflag:s4], $0x4000  }
0x51: {  	[sflag:s4] =	ssyncset.done @!p1 $0x0  }
0x52: {  	[sflag:s4] =	ssyncadd.s32 @!p1 $0xFFFFC000  }
0x53: {  	[tilespmem:s17], [sflag:$0x4] =	stream.indirect.gather [spmem:s1], $0x80, s16, s15, $0xb8;
	[tilespmem:$0x10720] =	vst v63  }
0x54: {  	_ =	swait.ge [sflag:s18], $0x4000  }
0x55: {  	[sflag:s18] =	ssyncset.done $0x0  }
0x56: {  	s13 =	sadd.s32 s5, s8;
	[sflag:s18] =	ssyncadd.s32 $0xFFFFC000  }
0x57: {  	[hbm4b:s13+s2] =	stream.linear.scatter [tilespmem:s19], [sflag:$0x5], $0x4000, $0x38;
	[tilespmem:$0x10720] =	vst v63  }
0x58: {  	_ =	swait.ge [sflag:s20], $0x4000  }
0x59: {  	s4 =	sadd.s32 s5, s9;
	[sflag:s20] =	ssyncset.done $0x0  }
0x5a: {  	s3 =	sadd.s32 $0x800, s4;
	[sflag:s20] =	ssyncadd.s32 $0xFFFFC000  }
0x5b: {  	[hbm4b:s3+s2] =	stream.linear.scatter [tilespmem:s21], [sflag:$0x6], $0x4000, $0x38;
	[tilespmem:$0x10720] =	vst v63  }
0x5c: {  	_ =	swait.ge [sflag:s22], $0x4000  }
0x5d: {  	[sflag:s22] =	ssyncset.done $0x0  }
0x5e: {  	s13 =	sadd.s32 $0x1000, s4;
	[sflag:s22] =	ssyncadd.s32 $0xFFFFC000  }
0x5f: {  	[hbm4b:s13+s2] =	stream.linear.scatter [tilespmem:s23], [sflag:$0x7], $0x4000, $0x38;
	[tilespmem:$0x10720] =	vst v63  }
0x60: {  	_ =	swait.ge [sflag:s24], $0x4000  }
0x61: {  	[sflag:s24] =	ssyncset.done $0x0  }
0x62: {  	p1 =	seq.s32 s5, $0x18C000;
	s3 =	sadd.s32 $0x1800, s4;
	[sflag:s24] =	ssyncadd.s32 $0xFFFFC000  }
0x63: {  	[hbm4b:s3+s2] =	stream.linear.scatter [tilespmem:s17], [sflag:$0x8], $0x4000, $0x38;
	[tilespmem:$0x10720] =	vst v63  }
0x64: {  	s6 =	sadd.s32 @!p1 $0xFFFFFFC0, s7;
	s13 =	simm.s32 @!p1 $0x0;
	s3 =	simm.s32 @!p1 $0x320  }
0x65: {  	[tilespmem:s3], [sflag:$0x9] =	stream.linear.gather @!p1 [hbm4b:s6+s13], $0x200, $0x38;
	[tilespmem:$0x10720] =	vst v63  }
0x66: {  	_ =	swait.ge [sflag:s25], $0x200  }
0x67: {  	[sflag:s25] =	ssyncset.done $0x0  }
0x68: {  	[sflag:s25] =	ssyncadd.s32 $0xFFFFFE00  }
0x69: {  	_ =	swait.ge [sflag:s26], $0x4000  }
0x6a: {  	[sflag:s26] =	ssyncset.done $0x0  }
0x6b: {  	[sflag:s26] =	ssyncadd.s32 $0xFFFFC000  }
0x6c: {  	[tilespmem:s19], [sflag:$0x1] =	stream.indirect.gather [spmem:s1], $0x80, s12, s15, $0xb8;
	[tilespmem:$0x10720] =	vst v63  }
0x6d: {  	_ =	swait.ge [sflag:s28], $0x4000  }
0x6e: {  	[sflag:s28] =	ssyncset.done $0x0  }
0x6f: {  	[sflag:s28] =	ssyncadd.s32 $0xFFFFC000  }
0x70: {  	[tilespmem:s21], [sflag:$0x2] =	stream.indirect.gather [spmem:s1], $0x80, s29, s15, $0xb8;
	[tilespmem:$0x10720] =	vst v63  }
0x71: {  	_ =	swait.ge [sflag:s30], $0x4000  }
0x72: {  	[sflag:s30] =	ssyncset.done $0x0  }
0x73: {  	[sflag:s30] =	ssyncadd.s32 $0xFFFFC000  }
0x74: {  	[tilespmem:s23], [sflag:$0x3] =	stream.indirect.gather [spmem:s1], $0x80, s31, s15, $0xb8;
	[tilespmem:$0x10720] =	vst v63  }
0x75: {  	_ =	swait.ge [sflag:s0], $0x4000  }
0x76: {  	[sflag:s0] =	ssyncset.done $0x0  }
0x77: {  	[sflag:s0] =	ssyncadd.s32 $0xFFFFC000  }
0x78: {  	[tilespmem:s17], [sflag:$0x4] =	stream.indirect.gather [spmem:s1], $0x80, s11, s15, $0xb8;
	[tilespmem:$0x10720] =	vst v63  }
0x79: {  	_ =	swait.ge [sflag:s18], $0x4000  }
0x7a: {  	[sflag:s18] =	ssyncset.done $0x0  }
0x7b: {  	s6 =	sadd.s32 s5, s10;
	[sflag:s18] =	ssyncadd.s32 $0xFFFFC000  }
0x7c: {  	[hbm4b:s6+s2] =	stream.linear.scatter [tilespmem:s19], [sflag:$0x5], $0x4000, $0x38;
	[tilespmem:$0x10720] =	vst v63  }
0x7d: {  	_ =	swait.ge [sflag:s20], $0x4000  }
0x7e: {  	[sflag:s20] =	ssyncset.done $0x0  }
0x7f: {  	s13 =	sadd.s32 $0x2800, s4;
	[sflag:s20] =	ssyncadd.s32 $0xFFFFC000  }
0x80: {  	[hbm4b:s13+s2] =	stream.linear.scatter [tilespmem:s21], [sflag:$0x6], $0x4000, $0x38;
	[tilespmem:$0x10720] =	vst v63  }
0x81: {  	_ =	swait.ge [sflag:s22], $0x4000  }
0x82: {  	[sflag:s22] =	ssyncset.done $0x0  }
0x83: {  	s6 =	sadd.s32 $0x3000, s4;
	[sflag:s22] =	ssyncadd.s32 $0xFFFFC000  }
0x84: {  	[hbm4b:s6+s2] =	stream.linear.scatter [tilespmem:s23], [sflag:$0x7], $0x4000, $0x38;
	[tilespmem:$0x10720] =	vst v63  }
.Ltmp2:
0x85: {  	_ = 	snop;
	(pc) =	sbr.rel @p1 .LBB2_4-.Ltmp2, $4  }
0x86: {  	_ =	swait.ge [sflag:s24], $0x4000  }
0x87: {  	[sflag:s24] =	ssyncset.done $0x0  }
0x88: {  	s13 =	sadd.s32 $0x3800, s4;
	[sflag:s24] =	ssyncadd.s32 $0xFFFFC000  }
0x89: {  	[hbm4b:s13+s2] =	stream.linear.scatter [tilespmem:s17], [sflag:$0x8], $0x4000, $0x38;
	[tilespmem:$0x10720] =	vst v63  }
.Ltmp3:
0x8a: {  	(pc) =	sbr.rel .LBB2_2-.Ltmp3, $3  }
0x8b: {  	_ =	sdelay $0x1  }
0x8c: {  	[tilespmem:s12], [sflag:$0xA] =	stream.linear.gather [hbm4b:s7+s2], $0x200, $0x38;
	[tilespmem:$0x10720] =	vst v63  }
0x8d: {  	s7 =	sadd.s32 $0x80, s7;
	s5 =	sadd.s32 $0x4000, s5  }
.LBB2_5:
0x8e: {  	_ =	sfence.sel $0x180000  }
0x8f: {  	[bflag:$0x0] =	sbarrier.arrive $0xFFFF  }
0x90: {  	_ =	strace $0x90000047  }
0x91: {  	[bflag:$0x2] =	sbarrier.arrive $0xFFFF  }
0x92: {  	s0 =	rddreg [dreg:$0x3]  }
0x93: {  	s0 =	sadd.s32 @!p0 $0x100000, s0  }
0x94: {  	[sflag:s0] =	ssyncadd.tile.s32 @!p0 $0x1;
	_ =	shalt  }
.Lfunc_end2:
_tile_overlayer_lowered:
.L_overlay_start_2:
0x95: {  	(tag) =	ssettag $0x2  }
0x96: {  	s0 =	rddreg [dreg:$0x0];
	s2 =	stileid.u32  }
0x97: {  	s1 =	rddreg [dreg:$0x1];
	p0 =	sne.s32 s2, $0x0  }
0x98: {  	s3 =	rddreg [dreg:$0x2];
	[bflag:$0x3] =	sbarrier.arrive $0xFFFF;
	s2 =	simm.s32 @!p0 $0x1C0C  }
0x99: {  	[timem:s3], [sflag:s2] =	dma.local @!p0 [hbm:s0], s1  }
0x9a: {  	s0 =	simm.s32 @!p0 $0xC  }
0x9b: {  	_ =	swait.ge @!p0 [sflag:s0], s1  }
0x9c: {  	s1 =	ssub.s32 @!p0 $0x0, s1;
	[sflag:s0] =	ssyncset.done @!p0 $0x0  }
0x9d: {  	[sflag:s0] =	ssyncadd.s32 @!p0 s1  }
0x9e: {  	[bflag:$0x3] =	sbarrier.arrive $0xFFFF  }
0x9f: {  	_ =	shalt  }

</sc_bundles>
